<compile_context>
chip_gen: v7x
topology: tpu7x:2x2x1
jax: 0.10.2.dev20260603
libtpu: 0.0.44.dev20260713+nightly
codegen_flags: <defaults>
</compile_context>

<pallas_src>
import functools

import jax
import jax.numpy as jnp
from jax import lax
from jax.experimental import pallas as pl
from jax.experimental.pallas import tpu as pltpu
from jax.experimental.pallas import tpu_sc as plsc

SEQ = 200
D = 64
BATCH = 4096
NC = 2
NS = 16
NW = NC * NS
BW = BATCH // NW
BWP = BW + 1
NBUF = 4
LANES = 16


def _sc_embed(xt, table, pe2):
    mesh = plsc.VectorSubcoreMesh(
        core_axis_name="c", subcore_axis_name="s",
        num_cores=NC, num_subcores=NS)

    @functools.partial(
        pl.kernel,
        out_type=jax.ShapeDtypeStruct((SEQ, D, BATCH), jnp.float32),
        mesh=mesh,
        scratch_types=[
            pltpu.VMEM((SEQ, D), jnp.float32),
            pltpu.VMEM((SEQ, BW), jnp.int32),
            pltpu.VMEM((NBUF, BW, D), jnp.float32),
            pltpu.VMEM((NBUF, D, BWP), jnp.float32),
            pltpu.SemaphoreType.DMA((NBUF,)),
            pltpu.SemaphoreType.DMA((NBUF,)),
        ],
        compiler_params=pltpu.CompilerParams(use_tc_tiling_on_sc=False,
                                             needs_layout_passes=False),
    )
    def k(xt_hbm, tab_hbm, pe_hbm, out_hbm,
          pe_v, idx_v, gbuf, tbuf, s_gath, s_out):
        wid = lax.axis_index("s") * NC + lax.axis_index("c")
        b0 = wid * BW
        pltpu.sync_copy(pe_hbm, pe_v)
        pltpu.sync_copy(xt_hbm.at[:, pl.ds(b0, BW)], idx_v)

        dvecs = [jnp.arange(LANES, dtype=jnp.int32) + l * LANES
                 for l in range(D // LANES)]

        def start_gather(s):
            b = lax.rem(s, NBUF)
            pltpu.async_copy(tab_hbm.at[idx_v.at[s]], gbuf.at[b],
                             s_gath.at[b])

        def transpose_store(s):
            b = lax.rem(s, NBUF)
            pltpu.make_async_copy(
                tab_hbm.at[idx_v.at[0]], gbuf.at[b], s_gath.at[b]).wait()
            pvs = [pe_v[s, pl.ds(l * LANES, LANES)]
                   for l in range(D // LANES)]
            tb = tbuf.at[b]

            @plsc.parallel_loop(0, BW, unroll=16)
            def j_body(j):
                jv = jnp.full((LANES,), j, dtype=jnp.int32)
                for l in range(D // LANES):
                    v = gbuf[b, j, pl.ds(l * LANES, LANES)] + pvs[l]
                    plsc.store_scatter(tb, [dvecs[l], jv], v)
            pltpu.async_copy(tbuf.at[b, :, pl.ds(0, BW)],
                             out_hbm.at[s, :, pl.ds(b0, BW)],
                             s_out.at[b])

        def wait_store(s):
            b = lax.rem(s, NBUF)
            pltpu.make_async_copy(
                tbuf.at[b, :, pl.ds(0, BW)],
                out_hbm.at[0, :, pl.ds(b0, BW)],
                s_out.at[b]).wait()

        def body(i, carry):
            @pl.when(i < SEQ)
            def _():
                @pl.when(i >= NBUF)
                def _():
                    wait_store(i - NBUF)
                start_gather(i)

            @pl.when(jnp.logical_and(i >= 1, i - 1 < SEQ))
            def _():
                transpose_store(i - 1)
            return carry

        lax.fori_loop(0, SEQ + 1, body, 0)
        for j in range(min(NBUF, SEQ)):
            wait_store(SEQ - 1 - j)

    return k(xt, table, pe2)


def kernel(x, table, pe):
    xt = x.astype(jnp.int32).T
    pe2 = pe.reshape(SEQ, D)
    out = _sc_embed(xt, table, pe2)
    return out.transpose(2, 0, 1)

# --- scband reference (transcript-rebuilt; emitter-appended) ---
"""Pipeline reference for scband-position-embedding-54296976556087 (READ-ONLY COPY).

The authoritative reference and input builder live on the scoring server;
editing this copy changes nothing except your own understanding.
"""

import jax, jax.numpy as jnp
import numpy as np

SEQ_LEN = 200
D_MODEL = 64
VOCAB = 100000
BATCH = 4096

def _make_pe(seq_len, d_model):
    pos = np.arange(seq_len, dtype=np.float64)[:, None]
    i = np.arange(d_model, dtype=np.float64)[None, :]
    fenmu = 10000.0 ** (i / float(d_model))
    pe_arg = pos / fenmu
    pe = np.where((np.arange(d_model)[None, :] % 2) == 0, np.sin(pe_arg), np.cos(pe_arg))
    return jnp.asarray(pe[None, :, :], dtype=jnp.float32)  # [1, seq_len, d_model]

def setup_inputs(seed: int = 0) -> dict:
    key = jax.random.key(seed)
    k_x, k_w = jax.random.split(key)
    x = jax.random.randint(k_x, (BATCH, SEQ_LEN), 0, VOCAB, dtype=jnp.int64)
    # embedding table initialized ~ N(0, 0.1)
    table = jax.random.normal(k_w, (VOCAB, D_MODEL), dtype=jnp.float32) * 0.1
    pe = _make_pe(SEQ_LEN, D_MODEL)
    return {"x": x, "table": table, "pe": pe}

def reference(x, table, pe):
    # embed = self.embed(x)
    embed = jnp.take(table, x, axis=0)  # [B, S, D]
    # embed = embed + self.pe (broadcast over batch)
    embed = embed + pe
    return embed

if __name__ == "__main__":
    import jax
    _d = setup_inputs()
    print(jax.jit(kernel)(*tuple(_d.values())))

</pallas_src>

<mosaic_0001>
#map = affine_map<(d0, d1) -> (0, 0)>
#map1 = affine_map<(d0, d1) -> (0, 0, 0)>
module attributes {stable_mosaic.version = 14 : i64} {
  func.func @k(%arg0: i32, %arg1: i32, %arg2: memref<200x4096xi32, #tpu.memory_space<hbm>>, %arg3: memref<100000x64xf32, #tpu.memory_space<hbm>>, %arg4: memref<200x64xf32, #tpu.memory_space<hbm>>, %arg5: memref<200x64x4096xf32, #tpu.memory_space<hbm>>, %arg6: memref<200x64xf32, #tpu.memory_space<vmem>>, %arg7: memref<200x128xi32, #tpu.memory_space<vmem>>, %arg8: memref<4x128x64xf32, #tpu.memory_space<vmem>>, %arg9: memref<4x64x129xf32, #tpu.memory_space<vmem>>, %arg10: memref<4x!tpu.dma_semaphore, #tpu.memory_space<semaphore_mem>>, %arg11: memref<4x!tpu.dma_semaphore, #tpu.memory_space<semaphore_mem>>) attributes {dimension_semantics = [#tpu.dimension_semantics<core_parallel>, #tpu.dimension_semantics<subcore_parallel>], iteration_bounds = array<i64: 2, 16>, scalar_prefetch = 0 : i64, scratch_operands = 6 : i64, tpu.core_type = #tpu.core_type<sc_vector_subcore>, window_params = [{transform_indices = #map}, {transform_indices = #map}, {transform_indices = #map}, {transform_indices = #map1}]} {
    %mul3A = arith.constant 2 : i32
    %mul3A_0 = arith.muli %arg1, %mul3A : i32
    %add3A = arith.addi %mul3A_0, %arg0 : i32
    %mul3A_1 = arith.constant 128 : i32
    %mul3A_2 = arith.muli %add3A, %mul3A_1 : i32
    "tpu.region"() ({
      %run_scoped3A = tpu.sem_alloc : memref<!tpu.dma_semaphore, #tpu.memory_space<semaphore_mem>>
      tpu.enqueue_dma source(%arg4 : memref<200x64xf32, #tpu.memory_space<hbm>>) target(%arg6 : memref<200x64xf32, #tpu.memory_space<vmem>>) target_semaphore(%run_scoped3A : memref<!tpu.dma_semaphore, #tpu.memory_space<semaphore_mem>>)
      tpu.wait_dma2 semaphore(%run_scoped3A : memref<!tpu.dma_semaphore, #tpu.memory_space<semaphore_mem>>) src(%arg4 : memref<200x64xf32, #tpu.memory_space<hbm>>) dst(%arg6 : memref<200x64xf32, #tpu.memory_space<vmem>>)
      tpu.yield
    }) : () -> ()
    "tpu.region"() ({
      %run_scoped3A = tpu.sem_alloc : memref<!tpu.dma_semaphore, #tpu.memory_space<semaphore_mem>>
      %dma_start3A = arith.constant 0 : i32
      %dma_start3A_101 = tpu.memref_slice %arg2[%dma_start3A, %mul3A_2] : memref<200x4096xi32, #tpu.memory_space<hbm>> -> memref<200x128xi32, #tpu.memory_space<hbm>>
      %dma_start3A_102 = arith.constant 0 : i32
      %dma_start3A_103 = tpu.memref_slice %arg2[%dma_start3A_102, %mul3A_2] : memref<200x4096xi32, #tpu.memory_space<hbm>> -> memref<200x128xi32, #tpu.memory_space<hbm>>
      tpu.enqueue_dma source(%dma_start3A_103 : memref<200x128xi32, #tpu.memory_space<hbm>>) target(%arg7 : memref<200x128xi32, #tpu.memory_space<vmem>>) target_semaphore(%run_scoped3A : memref<!tpu.dma_semaphore, #tpu.memory_space<semaphore_mem>>)
      %dma_wait3A_104 = arith.constant 0 : i32
      %dma_wait3A_105 = tpu.memref_slice %arg2[%dma_wait3A_104, %mul3A_2] : memref<200x4096xi32, #tpu.memory_space<hbm>> -> memref<200x128xi32, #tpu.memory_space<hbm>>
      %dma_wait3A_106 = arith.constant 0 : i32
      %dma_wait3A_107 = tpu.memref_slice %arg2[%dma_wait3A_106, %mul3A_2] : memref<200x4096xi32, #tpu.memory_space<hbm>> -> memref<200x128xi32, #tpu.memory_space<hbm>>
      tpu.wait_dma2 semaphore(%run_scoped3A : memref<!tpu.dma_semaphore, #tpu.memory_space<semaphore_mem>>) src(%dma_wait3A_107 : memref<200x128xi32, #tpu.memory_space<hbm>>) dst(%arg7 : memref<200x128xi32, #tpu.memory_space<vmem>>)
      tpu.yield
    }) : () -> ()
    %iota3A = tpu.iota {dimensions = array<i32: 0>} : vector<16xi32>
    %add3A_3 = arith.constant 0 : i32
    %add3A_4 = vector.broadcast %add3A_3 : i32 to vector<16xi32>
    %add3A_5 = arith.addi %iota3A, %add3A_4 : vector<16xi32>
    %iota3A_6 = tpu.iota {dimensions = array<i32: 0>} : vector<16xi32>
    %add3A_7 = arith.constant 16 : i32
    %add3A_8 = vector.broadcast %add3A_7 : i32 to vector<16xi32>
    %add3A_9 = arith.addi %iota3A_6, %add3A_8 : vector<16xi32>
    %iota3A_10 = tpu.iota {dimensions = array<i32: 0>} : vector<16xi32>
    %add3A_11 = arith.constant 32 : i32
    %add3A_12 = vector.broadcast %add3A_11 : i32 to vector<16xi32>
    %add3A_13 = arith.addi %iota3A_10, %add3A_12 : vector<16xi32>
    %iota3A_14 = tpu.iota {dimensions = array<i32: 0>} : vector<16xi32>
    %add3A_15 = arith.constant 48 : i32
    %add3A_16 = vector.broadcast %add3A_15 : i32 to vector<16xi32>
    %add3A_17 = arith.addi %iota3A_14, %add3A_16 : vector<16xi32>
    %scan3A = arith.constant 0 : i32
    %scan3A_18 = arith.constant 0 : i32
    %scan3A_19 = arith.constant 201 : i32
    %scan3A_20 = arith.addi %scan3A_18, %scan3A_19 : i32
    %scan3A_21 = arith.constant 1 : i32
    scf.for %scan3A_101 = %scan3A_18 to %scan3A_20 step %scan3A_21  : i32 {
      %lt3A = arith.constant 200 : i32
      %lt3A_102 = arith.cmpi slt, %scan3A_101, %lt3A : i32
      %convert_element_type3A = arith.extui %lt3A_102 : i1 to i32
      %cond3A = arith.constant 0 : i32
      %cond3A_103 = arith.cmpi ne, %convert_element_type3A, %cond3A : i32
      scf.if %cond3A_103 {
        %ge3A_111 = arith.constant 4 : i32
        %ge3A_112 = arith.cmpi sge, %scan3A_101, %ge3A_111 : i32
        %convert_element_type3A_113 = arith.extui %ge3A_112 : i1 to i32
        %cond3A_114 = arith.constant 0 : i32
        %cond3A_115 = arith.cmpi ne, %convert_element_type3A_113, %cond3A_114 : i32
        scf.if %cond3A_115 {
          %sub3A_129 = arith.constant 4 : i32
          %sub3A_130 = arith.subi %scan3A_101, %sub3A_129 : i32
          %rem3A_131 = arith.constant 4 : i32
          %rem3A_132 = arith.remsi %sub3A_130, %rem3A_131 : i32
          %dma_wait3A_133 = arith.constant 0 : i32
          %dma_wait3A_134 = arith.constant 0 : i32
          %dma_wait3A_135 = arith.constant 0 : i32
          %dma_wait3A_136 = tpu.memref_slice %arg9[%rem3A_132, %dma_wait3A_134, %dma_wait3A_135] : memref<4x64x129xf32, #tpu.memory_space<vmem>> -> memref<1x64x128xf32, #tpu.memory_space<vmem>>
          %dma_wait3A_137 = tpu.memref_squeeze %dma_wait3A_136 : memref<1x64x128xf32, #tpu.memory_space<vmem>> -> memref<64x128xf32, #tpu.memory_space<vmem>>
          %dma_wait3A_138 = arith.constant 0 : i32
          %dma_wait3A_139 = tpu.memref_slice %arg5[%dma_wait3A_133, %dma_wait3A_138, %mul3A_2] : memref<200x64x4096xf32, #tpu.memory_space<hbm>> -> memref<1x64x128xf32, #tpu.memory_space<hbm>>
          %dma_wait3A_140 = tpu.memref_squeeze %dma_wait3A_139 : memref<1x64x128xf32, #tpu.memory_space<hbm>> -> memref<64x128xf32, #tpu.memory_space<hbm>>
          %dma_wait3A_141 = tpu.memref_slice %arg11[%rem3A_132] : memref<4x!tpu.dma_semaphore, #tpu.memory_space<semaphore_mem>> -> memref<1x!tpu.dma_semaphore, #tpu.memory_space<semaphore_mem>>
          %dma_wait3A_142 = tpu.memref_squeeze %dma_wait3A_141 : memref<1x!tpu.dma_semaphore, #tpu.memory_space<semaphore_mem>> -> memref<!tpu.dma_semaphore, #tpu.memory_space<semaphore_mem>>
          %dma_wait3A_143 = arith.constant 0 : i32
          %dma_wait3A_144 = tpu.memref_slice %arg5[%dma_wait3A_133, %dma_wait3A_143, %mul3A_2] : memref<200x64x4096xf32, #tpu.memory_space<hbm>> -> memref<1x64x128xf32, #tpu.memory_space<hbm>>
          %dma_wait3A_145 = tpu.memref_squeeze %dma_wait3A_144 : memref<1x64x128xf32, #tpu.memory_space<hbm>> -> memref<64x128xf32, #tpu.memory_space<hbm>>
          %dma_wait3A_146 = arith.constant 0 : i32
          %dma_wait3A_147 = arith.constant 0 : i32
          %dma_wait3A_148 = tpu.memref_slice %arg9[%rem3A_132, %dma_wait3A_146, %dma_wait3A_147] : memref<4x64x129xf32, #tpu.memory_space<vmem>> -> memref<1x64x128xf32, #tpu.memory_space<vmem>>
          %dma_wait3A_149 = tpu.memref_squeeze %dma_wait3A_148 : memref<1x64x128xf32, #tpu.memory_space<vmem>> -> memref<64x128xf32, #tpu.memory_space<vmem>>
          tpu.wait_dma2 semaphore(%dma_wait3A_142 : memref<!tpu.dma_semaphore, #tpu.memory_space<semaphore_mem>>) src(%dma_wait3A_149 : memref<64x128xf32, #tpu.memory_space<vmem>>) dst(%dma_wait3A_145 : memref<64x128xf32, #tpu.memory_space<hbm>>)
        } else {
        }
        %rem3A_116 = arith.constant 4 : i32
        %rem3A_117 = arith.remsi %scan3A_101, %rem3A_116 : i32
        %dma_start3A = arith.constant 0 : i32
        %dma_start3A_118 = arith.constant 0 : i32
        %dma_start3A_119 = tpu.memref_slice %arg8[%rem3A_117, %dma_start3A, %dma_start3A_118] : memref<4x128x64xf32, #tpu.memory_space<vmem>> -> memref<1x128x64xf32, #tpu.memory_space<vmem>>
        %dma_start3A_120 = tpu.memref_squeeze %dma_start3A_119 : memref<1x128x64xf32, #tpu.memory_space<vmem>> -> memref<128x64xf32, #tpu.memory_space<vmem>>
        %dma_start3A_121 = arith.constant 0 : i32
        %dma_start3A_122 = tpu.memref_slice %arg7[%scan3A_101, %dma_start3A_121] : memref<200x128xi32, #tpu.memory_space<vmem>> -> memref<1x128xi32, #tpu.memory_space<vmem>>
        %dma_start3A_123 = tpu.memref_squeeze %dma_start3A_122 : memref<1x128xi32, #tpu.memory_space<vmem>> -> memref<128xi32, #tpu.memory_space<vmem>>
        %dma_start3A_124 = arith.constant 0 : i32
        %dma_start3A_125 = arith.constant 0 : i32
        %dma_start3A_126 = tpu.memref_slice %arg3[%dma_start3A_124, %dma_start3A_125] : memref<100000x64xf32, #tpu.memory_space<hbm>> -> memref<100000x64xf32, #tpu.memory_space<hbm>>
        %dma_start3A_127 = tpu.memref_slice %arg10[%rem3A_117] : memref<4x!tpu.dma_semaphore, #tpu.memory_space<semaphore_mem>> -> memref<1x!tpu.dma_semaphore, #tpu.memory_space<semaphore_mem>>
        %dma_start3A_128 = tpu.memref_squeeze %dma_start3A_127 : memref<1x!tpu.dma_semaphore, #tpu.memory_space<semaphore_mem>> -> memref<!tpu.dma_semaphore, #tpu.memory_space<semaphore_mem>>
        tpu.enqueue_indirect_dma source(%dma_start3A_126 : memref<100000x64xf32, #tpu.memory_space<hbm>>) target(%dma_start3A_120 : memref<128x64xf32, #tpu.memory_space<vmem>>) offsets(%dma_start3A_123 : memref<128xi32, #tpu.memory_space<vmem>>) semaphore(%dma_start3A_128 : memref<!tpu.dma_semaphore, #tpu.memory_space<semaphore_mem>>)
      } else {
      }
      %ge3A = arith.constant 1 : i32
      %ge3A_104 = arith.cmpi sge, %scan3A_101, %ge3A : i32
      %sub3A = arith.constant 1 : i32
      %sub3A_105 = arith.subi %scan3A_101, %sub3A : i32
      %lt3A_106 = arith.constant 200 : i32
      %lt3A_107 = arith.cmpi slt, %sub3A_105, %lt3A_106 : i32
      %and3A = arith.andi %ge3A_104, %lt3A_107 : i1
      %convert_element_type3A_108 = arith.extui %and3A : i1 to i32
      %cond3A_109 = arith.constant 0 : i32
      %cond3A_110 = arith.cmpi ne, %convert_element_type3A_108, %cond3A_109 : i32
      scf.if %cond3A_110 {
        %sub3A_111 = arith.constant 1 : i32
        %sub3A_112 = arith.subi %scan3A_101, %sub3A_111 : i32
        %rem3A_113 = arith.constant 4 : i32
        %rem3A_114 = arith.remsi %sub3A_112, %rem3A_113 : i32
        %dma_wait3A_115 = arith.constant 0 : i32
        %dma_wait3A_116 = arith.constant 0 : i32
        %dma_wait3A_117 = arith.constant 0 : i32
        %dma_wait3A_118 = tpu.memref_slice %arg8[%rem3A_114, %dma_wait3A_116, %dma_wait3A_117] : memref<4x128x64xf32, #tpu.memory_space<vmem>> -> memref<1x128x64xf32, #tpu.memory_space<vmem>>
        %dma_wait3A_119 = tpu.memref_squeeze %dma_wait3A_118 : memref<1x128x64xf32, #tpu.memory_space<vmem>> -> memref<128x64xf32, #tpu.memory_space<vmem>>
        %dma_wait3A_120 = arith.constant 0 : i32
        %dma_wait3A_121 = tpu.memref_slice %arg7[%dma_wait3A_115, %dma_wait3A_120] : memref<200x128xi32, #tpu.memory_space<vmem>> -> memref<1x128xi32, #tpu.memory_space<vmem>>
        %dma_wait3A_122 = tpu.memref_squeeze %dma_wait3A_121 : memref<1x128xi32, #tpu.memory_space<vmem>> -> memref<128xi32, #tpu.memory_space<vmem>>
        %dma_wait3A_123 = arith.constant 0 : i32
        %dma_wait3A_124 = arith.constant 0 : i32
        %dma_wait3A_125 = tpu.memref_slice %arg3[%dma_wait3A_123, %dma_wait3A_124] : memref<100000x64xf32, #tpu.memory_space<hbm>> -> memref<100000x64xf32, #tpu.memory_space<hbm>>
        %dma_wait3A_126 = tpu.memref_slice %arg10[%rem3A_114] : memref<4x!tpu.dma_semaphore, #tpu.memory_space<semaphore_mem>> -> memref<1x!tpu.dma_semaphore, #tpu.memory_space<semaphore_mem>>
        %dma_wait3A_127 = tpu.memref_squeeze %dma_wait3A_126 : memref<1x!tpu.dma_semaphore, #tpu.memory_space<semaphore_mem>> -> memref<!tpu.dma_semaphore, #tpu.memory_space<semaphore_mem>>
        tpu.wait_indirect_dma semaphore(%dma_wait3A_127 : memref<!tpu.dma_semaphore, #tpu.memory_space<semaphore_mem>>) src(%dma_wait3A_125 : memref<100000x64xf32, #tpu.memory_space<hbm>>) dst(%dma_wait3A_119 : memref<128x64xf32, #tpu.memory_space<vmem>>)
        %get3A = arith.index_cast %sub3A_112 : i32 to index
        %get3A_128 = arith.constant 0 : index
        %get3A_129 = tpu.vector_load %arg6[%get3A, %get3A_128] {strides = array<i32>} : memref<200x64xf32, #tpu.memory_space<vmem>>, vector<16xf32>,
        %get3A_130 = arith.index_cast %sub3A_112 : i32 to index
        %get3A_131 = arith.constant 16 : index
        %get3A_132 = tpu.vector_load %arg6[%get3A_130, %get3A_131] {strides = array<i32>} : memref<200x64xf32, #tpu.memory_space<vmem>>, vector<16xf32>,
        %get3A_133 = arith.index_cast %sub3A_112 : i32 to index
        %get3A_134 = arith.constant 32 : index
        %get3A_135 = tpu.vector_load %arg6[%get3A_133, %get3A_134] {strides = array<i32>} : memref<200x64xf32, #tpu.memory_space<vmem>>, vector<16xf32>,
        %get3A_136 = arith.index_cast %sub3A_112 : i32 to index
        %get3A_137 = arith.constant 48 : index
        %get3A_138 = tpu.vector_load %arg6[%get3A_136, %get3A_137] {strides = array<i32>} : memref<200x64xf32, #tpu.memory_space<vmem>>, vector<16xf32>,
        %parallel_loop3A = arith.constant 0 : i32
        %parallel_loop3A_139 = arith.constant 128 : i32
        %parallel_loop3A_140 = arith.constant 1 : i32
        scf.for %parallel_loop3A_156 = %parallel_loop3A to %parallel_loop3A_139 step %parallel_loop3A_140  : i32 {
          %parallel_loop3A_157 = vector.broadcast %parallel_loop3A_156 : i32 to vector<16xi32>
          %parallel_loop3A_158 = arith.index_cast %rem3A_114 : i32 to index
          %parallel_loop3A_159 = arith.index_cast %parallel_loop3A_156 : i32 to index
          %parallel_loop3A_160 = arith.constant 0 : index
          %parallel_loop3A_161 = tpu.vector_load %arg8[%parallel_loop3A_158, %parallel_loop3A_159, %parallel_loop3A_160] {strides = array<i32>} : memref<4x128x64xf32, #tpu.memory_space<vmem>>, vector<16xf32>,
          %parallel_loop3A_162 = arith.addf %parallel_loop3A_161, %get3A_129 : vector<16xf32>
          %parallel_loop3A_163 = arith.constant 0 : i32
          %parallel_loop3A_164 = arith.constant 0 : i32
          %parallel_loop3A_165 = tpu.memref_slice %arg9[%rem3A_114, %parallel_loop3A_163, %parallel_loop3A_164] : memref<4x64x129xf32, #tpu.memory_space<vmem>> -> memref<1x64x129xf32, #tpu.memory_space<vmem>>
          %parallel_loop3A_166 = tpu.memref_squeeze %parallel_loop3A_165 : memref<1x64x129xf32, #tpu.memory_space<vmem>> -> memref<64x129xf32, #tpu.memory_space<vmem>>
          tpu.vector_store_idx %parallel_loop3A_166[%add3A_5, %parallel_loop3A_157], %parallel_loop3A_162 : memref<64x129xf32, #tpu.memory_space<vmem>>[vector<16xi32>, vector<16xi32>], vector<16xf32>,
          %parallel_loop3A_167 = arith.index_cast %rem3A_114 : i32 to index
          %parallel_loop3A_168 = arith.index_cast %parallel_loop3A_156 : i32 to index
          %parallel_loop3A_169 = arith.constant 16 : index
          %parallel_loop3A_170 = tpu.vector_load %arg8[%parallel_loop3A_167, %parallel_loop3A_168, %parallel_loop3A_169] {strides = array<i32>} : memref<4x128x64xf32, #tpu.memory_space<vmem>>, vector<16xf32>,
          %parallel_loop3A_171 = arith.addf %parallel_loop3A_170, %get3A_132 : vector<16xf32>
          %parallel_loop3A_172 = arith.constant 0 : i32
          %parallel_loop3A_173 = arith.constant 0 : i32
          %parallel_loop3A_174 = tpu.memref_slice %arg9[%rem3A_114, %parallel_loop3A_172, %parallel_loop3A_173] : memref<4x64x129xf32, #tpu.memory_space<vmem>> -> memref<1x64x129xf32, #tpu.memory_space<vmem>>
          %parallel_loop3A_175 = tpu.memref_squeeze %parallel_loop3A_174 : memref<1x64x129xf32, #tpu.memory_space<vmem>> -> memref<64x129xf32, #tpu.memory_space<vmem>>
          tpu.vector_store_idx %parallel_loop3A_175[%add3A_9, %parallel_loop3A_157], %parallel_loop3A_171 : memref<64x129xf32, #tpu.memory_space<vmem>>[vector<16xi32>, vector<16xi32>], vector<16xf32>,
          %parallel_loop3A_176 = arith.index_cast %rem3A_114 : i32 to index
          %parallel_loop3A_177 = arith.index_cast %parallel_loop3A_156 : i32 to index
          %parallel_loop3A_178 = arith.constant 32 : index
          %parallel_loop3A_179 = tpu.vector_load %arg8[%parallel_loop3A_176, %parallel_loop3A_177, %parallel_loop3A_178] {strides = array<i32>} : memref<4x128x64xf32, #tpu.memory_space<vmem>>, vector<16xf32>,
          %parallel_loop3A_180 = arith.addf %parallel_loop3A_179, %get3A_135 : vector<16xf32>
          %parallel_loop3A_181 = arith.constant 0 : i32
          %parallel_loop3A_182 = arith.constant 0 : i32
          %parallel_loop3A_183 = tpu.memref_slice %arg9[%rem3A_114, %parallel_loop3A_181, %parallel_loop3A_182] : memref<4x64x129xf32, #tpu.memory_space<vmem>> -> memref<1x64x129xf32, #tpu.memory_space<vmem>>
          %parallel_loop3A_184 = tpu.memref_squeeze %parallel_loop3A_183 : memref<1x64x129xf32, #tpu.memory_space<vmem>> -> memref<64x129xf32, #tpu.memory_space<vmem>>
          tpu.vector_store_idx %parallel_loop3A_184[%add3A_13, %parallel_loop3A_157], %parallel_loop3A_180 : memref<64x129xf32, #tpu.memory_space<vmem>>[vector<16xi32>, vector<16xi32>], vector<16xf32>,
          %parallel_loop3A_185 = arith.index_cast %rem3A_114 : i32 to index
          %parallel_loop3A_186 = arith.index_cast %parallel_loop3A_156 : i32 to index
          %parallel_loop3A_187 = arith.constant 48 : index
          %parallel_loop3A_188 = tpu.vector_load %arg8[%parallel_loop3A_185, %parallel_loop3A_186, %parallel_loop3A_187] {strides = array<i32>} : memref<4x128x64xf32, #tpu.memory_space<vmem>>, vector<16xf32>,
          %parallel_loop3A_189 = arith.addf %parallel_loop3A_188, %get3A_138 : vector<16xf32>
          %parallel_loop3A_190 = arith.constant 0 : i32
          %parallel_loop3A_191 = arith.constant 0 : i32
          %parallel_loop3A_192 = tpu.memref_slice %arg9[%rem3A_114, %parallel_loop3A_190, %parallel_loop3A_191] : memref<4x64x129xf32, #tpu.memory_space<vmem>> -> memref<1x64x129xf32, #tpu.memory_space<vmem>>
          %parallel_loop3A_193 = tpu.memref_squeeze %parallel_loop3A_192 : memref<1x64x129xf32, #tpu.memory_space<vmem>> -> memref<64x129xf32, #tpu.memory_space<vmem>>
          tpu.vector_store_idx %parallel_loop3A_193[%add3A_17, %parallel_loop3A_157], %parallel_loop3A_189 : memref<64x129xf32, #tpu.memory_space<vmem>>[vector<16xi32>, vector<16xi32>], vector<16xf32>,
        } {sc.loop_unroll_factor = 16 : i64, sc.parallel_access}
        %dma_start3A = arith.constant 0 : i32
        %dma_start3A_141 = arith.constant 0 : i32
        %dma_start3A_142 = tpu.memref_slice %arg9[%rem3A_114, %dma_start3A, %dma_start3A_141] : memref<4x64x129xf32, #tpu.memory_space<vmem>> -> memref<1x64x128xf32, #tpu.memory_space<vmem>>
        %dma_start3A_143 = tpu.memref_squeeze %dma_start3A_142 : memref<1x64x128xf32, #tpu.memory_space<vmem>> -> memref<64x128xf32, #tpu.memory_space<vmem>>
        %dma_start3A_144 = arith.constant 0 : i32
        %dma_start3A_145 = tpu.memref_slice %arg5[%sub3A_112, %dma_start3A_144, %mul3A_2] : memref<200x64x4096xf32, #tpu.memory_space<hbm>> -> memref<1x64x128xf32, #tpu.memory_space<hbm>>
        %dma_start3A_146 = tpu.memref_squeeze %dma_start3A_145 : memref<1x64x128xf32, #tpu.memory_space<hbm>> -> memref<64x128xf32, #tpu.memory_space<hbm>>
        %dma_start3A_147 = tpu.memref_slice %arg11[%rem3A_114] : memref<4x!tpu.dma_semaphore, #tpu.memory_space<semaphore_mem>> -> memref<1x!tpu.dma_semaphore, #tpu.memory_space<semaphore_mem>>
        %dma_start3A_148 = tpu.memref_squeeze %dma_start3A_147 : memref<1x!tpu.dma_semaphore, #tpu.memory_space<semaphore_mem>> -> memref<!tpu.dma_semaphore, #tpu.memory_space<semaphore_mem>>
        %dma_start3A_149 = arith.constant 0 : i32
        %dma_start3A_150 = tpu.memref_slice %arg5[%sub3A_112, %dma_start3A_149, %mul3A_2] : memref<200x64x4096xf32, #tpu.memory_space<hbm>> -> memref<1x64x128xf32, #tpu.memory_space<hbm>>
        %dma_start3A_151 = tpu.memref_squeeze %dma_start3A_150 : memref<1x64x128xf32, #tpu.memory_space<hbm>> -> memref<64x128xf32, #tpu.memory_space<hbm>>
        %dma_start3A_152 = arith.constant 0 : i32
        %dma_start3A_153 = arith.constant 0 : i32
        %dma_start3A_154 = tpu.memref_slice %arg9[%rem3A_114, %dma_start3A_152, %dma_start3A_153] : memref<4x64x129xf32, #tpu.memory_space<vmem>> -> memref<1x64x128xf32, #tpu.memory_space<vmem>>
        %dma_start3A_155 = tpu.memref_squeeze %dma_start3A_154 : memref<1x64x128xf32, #tpu.memory_space<vmem>> -> memref<64x128xf32, #tpu.memory_space<vmem>>
        tpu.enqueue_dma source(%dma_start3A_155 : memref<64x128xf32, #tpu.memory_space<vmem>>) target(%dma_start3A_151 : memref<64x128xf32, #tpu.memory_space<hbm>>) target_semaphore(%dma_start3A_148 : memref<!tpu.dma_semaphore, #tpu.memory_space<semaphore_mem>>)
      } else {
      }
    }
    %scan3A_22 = arith.constant 201 : i32
    %rem3A = arith.constant 199 : i32
    %rem3A_23 = arith.constant 4 : i32
    %rem3A_24 = arith.remsi %rem3A, %rem3A_23 : i32
    %dma_wait3A = arith.constant 0 : i32
    %dma_wait3A_25 = arith.constant 0 : i32
    %dma_wait3A_26 = arith.constant 0 : i32
    %dma_wait3A_27 = tpu.memref_slice %arg9[%rem3A_24, %dma_wait3A_25, %dma_wait3A_26] : memref<4x64x129xf32, #tpu.memory_space<vmem>> -> memref<1x64x128xf32, #tpu.memory_space<vmem>>
    %dma_wait3A_28 = tpu.memref_squeeze %dma_wait3A_27 : memref<1x64x128xf32, #tpu.memory_space<vmem>> -> memref<64x128xf32, #tpu.memory_space<vmem>>
    %dma_wait3A_29 = arith.constant 0 : i32
    %dma_wait3A_30 = tpu.memref_slice %arg5[%dma_wait3A, %dma_wait3A_29, %mul3A_2] : memref<200x64x4096xf32, #tpu.memory_space<hbm>> -> memref<1x64x128xf32, #tpu.memory_space<hbm>>
    %dma_wait3A_31 = tpu.memref_squeeze %dma_wait3A_30 : memref<1x64x128xf32, #tpu.memory_space<hbm>> -> memref<64x128xf32, #tpu.memory_space<hbm>>
    %dma_wait3A_32 = tpu.memref_slice %arg11[%rem3A_24] : memref<4x!tpu.dma_semaphore, #tpu.memory_space<semaphore_mem>> -> memref<1x!tpu.dma_semaphore, #tpu.memory_space<semaphore_mem>>
    %dma_wait3A_33 = tpu.memref_squeeze %dma_wait3A_32 : memref<1x!tpu.dma_semaphore, #tpu.memory_space<semaphore_mem>> -> memref<!tpu.dma_semaphore, #tpu.memory_space<semaphore_mem>>
    %dma_wait3A_34 = arith.constant 0 : i32
    %dma_wait3A_35 = tpu.memref_slice %arg5[%dma_wait3A, %dma_wait3A_34, %mul3A_2] : memref<200x64x4096xf32, #tpu.memory_space<hbm>> -> memref<1x64x128xf32, #tpu.memory_space<hbm>>
    %dma_wait3A_36 = tpu.memref_squeeze %dma_wait3A_35 : memref<1x64x128xf32, #tpu.memory_space<hbm>> -> memref<64x128xf32, #tpu.memory_space<hbm>>
    %dma_wait3A_37 = arith.constant 0 : i32
    %dma_wait3A_38 = arith.constant 0 : i32
    %dma_wait3A_39 = tpu.memref_slice %arg9[%rem3A_24, %dma_wait3A_37, %dma_wait3A_38] : memref<4x64x129xf32, #tpu.memory_space<vmem>> -> memref<1x64x128xf32, #tpu.memory_space<vmem>>
    %dma_wait3A_40 = tpu.memref_squeeze %dma_wait3A_39 : memref<1x64x128xf32, #tpu.memory_space<vmem>> -> memref<64x128xf32, #tpu.memory_space<vmem>>
    tpu.wait_dma2 semaphore(%dma_wait3A_33 : memref<!tpu.dma_semaphore, #tpu.memory_space<semaphore_mem>>) src(%dma_wait3A_40 : memref<64x128xf32, #tpu.memory_space<vmem>>) dst(%dma_wait3A_36 : memref<64x128xf32, #tpu.memory_space<hbm>>)
    %rem3A_41 = arith.constant 198 : i32
    %rem3A_42 = arith.constant 4 : i32
    %rem3A_43 = arith.remsi %rem3A_41, %rem3A_42 : i32
    %dma_wait3A_44 = arith.constant 0 : i32
    %dma_wait3A_45 = arith.constant 0 : i32
    %dma_wait3A_46 = arith.constant 0 : i32
    %dma_wait3A_47 = tpu.memref_slice %arg9[%rem3A_43, %dma_wait3A_45, %dma_wait3A_46] : memref<4x64x129xf32, #tpu.memory_space<vmem>> -> memref<1x64x128xf32, #tpu.memory_space<vmem>>
    %dma_wait3A_48 = tpu.memref_squeeze %dma_wait3A_47 : memref<1x64x128xf32, #tpu.memory_space<vmem>> -> memref<64x128xf32, #tpu.memory_space<vmem>>
    %dma_wait3A_49 = arith.constant 0 : i32
    %dma_wait3A_50 = tpu.memref_slice %arg5[%dma_wait3A_44, %dma_wait3A_49, %mul3A_2] : memref<200x64x4096xf32, #tpu.memory_space<hbm>> -> memref<1x64x128xf32, #tpu.memory_space<hbm>>
    %dma_wait3A_51 = tpu.memref_squeeze %dma_wait3A_50 : memref<1x64x128xf32, #tpu.memory_space<hbm>> -> memref<64x128xf32, #tpu.memory_space<hbm>>
    %dma_wait3A_52 = tpu.memref_slice %arg11[%rem3A_43] : memref<4x!tpu.dma_semaphore, #tpu.memory_space<semaphore_mem>> -> memref<1x!tpu.dma_semaphore, #tpu.memory_space<semaphore_mem>>
    %dma_wait3A_53 = tpu.memref_squeeze %dma_wait3A_52 : memref<1x!tpu.dma_semaphore, #tpu.memory_space<semaphore_mem>> -> memref<!tpu.dma_semaphore, #tpu.memory_space<semaphore_mem>>
    %dma_wait3A_54 = arith.constant 0 : i32
    %dma_wait3A_55 = tpu.memref_slice %arg5[%dma_wait3A_44, %dma_wait3A_54, %mul3A_2] : memref<200x64x4096xf32, #tpu.memory_space<hbm>> -> memref<1x64x128xf32, #tpu.memory_space<hbm>>
    %dma_wait3A_56 = tpu.memref_squeeze %dma_wait3A_55 : memref<1x64x128xf32, #tpu.memory_space<hbm>> -> memref<64x128xf32, #tpu.memory_space<hbm>>
    %dma_wait3A_57 = arith.constant 0 : i32
    %dma_wait3A_58 = arith.constant 0 : i32
    %dma_wait3A_59 = tpu.memref_slice %arg9[%rem3A_43, %dma_wait3A_57, %dma_wait3A_58] : memref<4x64x129xf32, #tpu.memory_space<vmem>> -> memref<1x64x128xf32, #tpu.memory_space<vmem>>
    %dma_wait3A_60 = tpu.memref_squeeze %dma_wait3A_59 : memref<1x64x128xf32, #tpu.memory_space<vmem>> -> memref<64x128xf32, #tpu.memory_space<vmem>>
    tpu.wait_dma2 semaphore(%dma_wait3A_53 : memref<!tpu.dma_semaphore, #tpu.memory_space<semaphore_mem>>) src(%dma_wait3A_60 : memref<64x128xf32, #tpu.memory_space<vmem>>) dst(%dma_wait3A_56 : memref<64x128xf32, #tpu.memory_space<hbm>>)
    %rem3A_61 = arith.constant 197 : i32
    %rem3A_62 = arith.constant 4 : i32
    %rem3A_63 = arith.remsi %rem3A_61, %rem3A_62 : i32
    %dma_wait3A_64 = arith.constant 0 : i32
    %dma_wait3A_65 = arith.constant 0 : i32
    %dma_wait3A_66 = arith.constant 0 : i32
    %dma_wait3A_67 = tpu.memref_slice %arg9[%rem3A_63, %dma_wait3A_65, %dma_wait3A_66] : memref<4x64x129xf32, #tpu.memory_space<vmem>> -> memref<1x64x128xf32, #tpu.memory_space<vmem>>
    %dma_wait3A_68 = tpu.memref_squeeze %dma_wait3A_67 : memref<1x64x128xf32, #tpu.memory_space<vmem>> -> memref<64x128xf32, #tpu.memory_space<vmem>>
    %dma_wait3A_69 = arith.constant 0 : i32
    %dma_wait3A_70 = tpu.memref_slice %arg5[%dma_wait3A_64, %dma_wait3A_69, %mul3A_2] : memref<200x64x4096xf32, #tpu.memory_space<hbm>> -> memref<1x64x128xf32, #tpu.memory_space<hbm>>
    %dma_wait3A_71 = tpu.memref_squeeze %dma_wait3A_70 : memref<1x64x128xf32, #tpu.memory_space<hbm>> -> memref<64x128xf32, #tpu.memory_space<hbm>>
    %dma_wait3A_72 = tpu.memref_slice %arg11[%rem3A_63] : memref<4x!tpu.dma_semaphore, #tpu.memory_space<semaphore_mem>> -> memref<1x!tpu.dma_semaphore, #tpu.memory_space<semaphore_mem>>
    %dma_wait3A_73 = tpu.memref_squeeze %dma_wait3A_72 : memref<1x!tpu.dma_semaphore, #tpu.memory_space<semaphore_mem>> -> memref<!tpu.dma_semaphore, #tpu.memory_space<semaphore_mem>>
    %dma_wait3A_74 = arith.constant 0 : i32
    %dma_wait3A_75 = tpu.memref_slice %arg5[%dma_wait3A_64, %dma_wait3A_74, %mul3A_2] : memref<200x64x4096xf32, #tpu.memory_space<hbm>> -> memref<1x64x128xf32, #tpu.memory_space<hbm>>
    %dma_wait3A_76 = tpu.memref_squeeze %dma_wait3A_75 : memref<1x64x128xf32, #tpu.memory_space<hbm>> -> memref<64x128xf32, #tpu.memory_space<hbm>>
    %dma_wait3A_77 = arith.constant 0 : i32
    %dma_wait3A_78 = arith.constant 0 : i32
    %dma_wait3A_79 = tpu.memref_slice %arg9[%rem3A_63, %dma_wait3A_77, %dma_wait3A_78] : memref<4x64x129xf32, #tpu.memory_space<vmem>> -> memref<1x64x128xf32, #tpu.memory_space<vmem>>
    %dma_wait3A_80 = tpu.memref_squeeze %dma_wait3A_79 : memref<1x64x128xf32, #tpu.memory_space<vmem>> -> memref<64x128xf32, #tpu.memory_space<vmem>>
    tpu.wait_dma2 semaphore(%dma_wait3A_73 : memref<!tpu.dma_semaphore, #tpu.memory_space<semaphore_mem>>) src(%dma_wait3A_80 : memref<64x128xf32, #tpu.memory_space<vmem>>) dst(%dma_wait3A_76 : memref<64x128xf32, #tpu.memory_space<hbm>>)
    %rem3A_81 = arith.constant 196 : i32
    %rem3A_82 = arith.constant 4 : i32
    %rem3A_83 = arith.remsi %rem3A_81, %rem3A_82 : i32
    %dma_wait3A_84 = arith.constant 0 : i32
    %dma_wait3A_85 = arith.constant 0 : i32
    %dma_wait3A_86 = arith.constant 0 : i32
    %dma_wait3A_87 = tpu.memref_slice %arg9[%rem3A_83, %dma_wait3A_85, %dma_wait3A_86] : memref<4x64x129xf32, #tpu.memory_space<vmem>> -> memref<1x64x128xf32, #tpu.memory_space<vmem>>
    %dma_wait3A_88 = tpu.memref_squeeze %dma_wait3A_87 : memref<1x64x128xf32, #tpu.memory_space<vmem>> -> memref<64x128xf32, #tpu.memory_space<vmem>>
    %dma_wait3A_89 = arith.constant 0 : i32
    %dma_wait3A_90 = tpu.memref_slice %arg5[%dma_wait3A_84, %dma_wait3A_89, %mul3A_2] : memref<200x64x4096xf32, #tpu.memory_space<hbm>> -> memref<1x64x128xf32, #tpu.memory_space<hbm>>
    %dma_wait3A_91 = tpu.memref_squeeze %dma_wait3A_90 : memref<1x64x128xf32, #tpu.memory_space<hbm>> -> memref<64x128xf32, #tpu.memory_space<hbm>>
    %dma_wait3A_92 = tpu.memref_slice %arg11[%rem3A_83] : memref<4x!tpu.dma_semaphore, #tpu.memory_space<semaphore_mem>> -> memref<1x!tpu.dma_semaphore, #tpu.memory_space<semaphore_mem>>
    %dma_wait3A_93 = tpu.memref_squeeze %dma_wait3A_92 : memref<1x!tpu.dma_semaphore, #tpu.memory_space<semaphore_mem>> -> memref<!tpu.dma_semaphore, #tpu.memory_space<semaphore_mem>>
    %dma_wait3A_94 = arith.constant 0 : i32
    %dma_wait3A_95 = tpu.memref_slice %arg5[%dma_wait3A_84, %dma_wait3A_94, %mul3A_2] : memref<200x64x4096xf32, #tpu.memory_space<hbm>> -> memref<1x64x128xf32, #tpu.memory_space<hbm>>
    %dma_wait3A_96 = tpu.memref_squeeze %dma_wait3A_95 : memref<1x64x128xf32, #tpu.memory_space<hbm>> -> memref<64x128xf32, #tpu.memory_space<hbm>>
    %dma_wait3A_97 = arith.constant 0 : i32
    %dma_wait3A_98 = arith.constant 0 : i32
    %dma_wait3A_99 = tpu.memref_slice %arg9[%rem3A_83, %dma_wait3A_97, %dma_wait3A_98] : memref<4x64x129xf32, #tpu.memory_space<vmem>> -> memref<1x64x128xf32, #tpu.memory_space<vmem>>
    %dma_wait3A_100 = tpu.memref_squeeze %dma_wait3A_99 : memref<1x64x128xf32, #tpu.memory_space<vmem>> -> memref<64x128xf32, #tpu.memory_space<vmem>>
    tpu.wait_dma2 semaphore(%dma_wait3A_93 : memref<!tpu.dma_semaphore, #tpu.memory_space<semaphore_mem>>) src(%dma_wait3A_100 : memref<64x128xf32, #tpu.memory_space<vmem>>) dst(%dma_wait3A_96 : memref<64x128xf32, #tpu.memory_space<hbm>>)
    return
  }
}

</mosaic_0001>

<sc_bundles>
// kernel: kernel.3.cloned.1.call-start
scs
__scs_entry_jumppad:
0x0: {  	(pc) =	sbr.rel $0x88, $3  }
0x1: {  	(tag) =	ssettag $0x0;
	lr =	simm.s32 $0x1  }
0x2: {  	[smem:$0x3F9E] =	sst lr;
	_ =	strace $0xD0000000  }
0x3: {  	_ = 	snop  }
0x4: {  	_ = 	snop  }
0x5: {  	_ = 	snop  }
0x6: {  	_ = 	snop  }
0x7: {  	_ = 	snop  }
__scs_overlays_trampoline_lowered:
0x8: {  	[smem:$0x3FAD] =	sst s0  }
0x9: {  	[smem:$0x3FAE] =	sst s1  }
0xa: {  	[smem:$0x3FAF] =	sst s2  }
0xb: {  	[smem:$0x3FB0] =	sst s3  }
0xc: {  	[smem:$0x3FB1] =	sst s4  }
0xd: {  	[smem:$0x3FB2] =	sst s5  }
0xe: {  	[smem:$0x3FB3] =	sst s6  }
0xf: {  	[smem:$0x3FB4] =	sst s7  }
0x10: {  	[smem:$0x3FB5] =	sst s8  }
0x11: {  	[smem:$0x3FB6] =	sst s9;
	s0 =	simm.s32 @!p0 $0x0  }
0x12: {  	s1 =	sld [smem:$0x3F9C];
	s0 =	simm.s32 @p0 $0x1  }
0x13: {  	[smem:$0x3FB7] =	sst s0;
	s0 =	simm.s32 @!p1 $0x0  }
0x14: {  	s2 =	sld [smem:$0x3F9B];
	s0 =	simm.s32 @p1 $0x1  }
0x15: {  	[smem:$0x3FB8] =	sst s0;
	s0 =	simm.s32 @!p2 $0x0  }
0x16: {  	s3 =	sld [smem:$0x3FDB];
	s0 =	simm.s32 @p2 $0x1  }
0x17: {  	s4 =	simm.s32 $0x1BF5;
	[smem:$0x3FBA] =	sst s0  }
0x18: {  	s0 =	sld [smem:$0x3F9D];
	_ =	swait.ge [sflag:s4], $0x0  }
0x19: {  	s7 =	sld [smem:$0x3F9E]  }
0x1a: {  	s8 =	sadd.s32 $0xFFFFE003, lr  }
0x1b: {  	s9 =	sadd.s32 $0xFFFFFEF7, lr;
	s5 =	simm.s32 $0xFFFFFFFF;
	p2 =	slt.u32 s8, $0xFFFFF086  }
0x1c: {  	p1 =	slt.u32 s9, $0xF7A;
	s5 =	simm.s32 @!p2 $0x0  }
0x1d: {  	s5 =	simm.s32 @p1 $0x1;
	p0 =	seq.s32 s7, s2  }
0x1e: {  	s7 =	smul.u32 @!p0 $0xF7A, s2;
	p2 =	seq.s32 @!p0 s5, $0x0  }
0x1f: {  	s9 =	smul.u32 $0xF7A, s1;
	s8 =	simm.s32 @!p0 $0x1BF5;
	p2 =	por !p2, p0  }
0x20: {  	[sflag:s8] =	ssyncset.s32 @!p0 $0xFFFFF086;
	s6 =	sadd.s32 @!p0 s3, s7;
	s7 =	simm.s32 @!p0 $0x108  }
0x21: {  	s3 =	sadd.s32 s3, s9;
	s6 =	sadd.s32 @!p0 $0x88, s6;
	s7 =	simm.s32 @p2 $0x1082  }
0x22: {  	[simem:s7], [sflag:s8] =	dma.local @!p0 [hbm:s6], $0xF7A  }
0x23: {  	s9 =	sor.u32 $0xD0000000, s2;
	s6 =	simm.s32 $0x108;
	_ =	swait.ge @!p0 [sflag:s8], $0x0  }
0x24: {  	s3 =	sadd.s32 $0x88, s3;
	s6 =	simm.s32 @!p1 $0x1082;
	[sflag:s4] =	ssyncset.s32 $0xFFFFF086  }
0x25: {  	[simem:s6], [sflag:s4] =	dma.local [hbm:s3], $0xF7A  }
0x26: {  	[smem:$0x3F9E] =	sst s1;
	(tag) =	ssettag s2;
	_ =	strace s9  }
0x27: {  	s1 =	sld [smem:$0x3FAE]  }
0x28: {  	s2 =	sld [smem:$0x3FAF]  }
0x29: {  	s4 =	sld [smem:$0x3FB1]  }
0x2a: {  	p0 =	seq.s32 s5, $0x0;
	s5 =	sld [smem:$0x3FB2]  }
0x2b: {  	s6 =	sld [smem:$0x3FB3]  }
0x2c: {  	s7 =	sld [smem:$0x3FB4]  }
0x2d: {  	s3 =	simm.s32 $0x108;
	s8 =	sld [smem:$0x3FB5]  }
0x2e: {  	s3 =	simm.s32 @!p0 $0x1082;
	s9 =	sld [smem:$0x3FB6]  }
0x2f: {  	lr =	sadd.s32 s0, s3;
	s0 =	sld [smem:$0x3FAD]  }
0x30: {  	s3 =	sld [smem:$0x3FB0]  }
0x31: {  	[smem:$0x3FB9] =	sst s10  }
0x32: {  	s10 =	sld [smem:$0x3FB7];
	_ =	sdelay $0x3  }
0x33: {  	p0 =	seq.s32 s10, $0x1;
	s10 =	sld [smem:$0x3FB9];
	_ =	sdelay $0x3  }
0x34: {  	[smem:$0x3FB9] =	sst s10  }
0x35: {  	s10 =	sld [smem:$0x3FB8];
	_ =	sdelay $0x3  }
0x36: {  	p1 =	seq.s32 s10, $0x1;
	s10 =	sld [smem:$0x3FB9];
	_ =	sdelay $0x3  }
0x37: {  	[smem:$0x3FB9] =	sst s10  }
0x38: {  	s10 =	sld [smem:$0x3FBA]  }
0x39: {  	_ = 	snop;
	(pc) =	sbr.ind lr, $3  }
0x3a: {  	_ = 	snop  }
0x3b: {  	_ = 	snop  }
0x3c: {  	p2 =	seq.s32 s10, $0x1;
	s10 =	sld [smem:$0x3FB9]  }
0x3d: {  	_ =	shalt  }
0x3e: {  	_ =	shalt  }
0x3f: {  	_ =	shalt  }
0x40: {  	_ =	shalt  }
0x41: {  	_ =	shalt  }
0x42: {  	_ =	shalt  }
0x43: {  	_ =	shalt  }
0x44: {  	_ =	shalt  }
0x45: {  	_ =	shalt  }
0x46: {  	_ =	shalt  }
0x47: {  	_ =	shalt  }
0x48: {  	_ =	shalt  }
0x49: {  	_ =	shalt  }
0x4a: {  	_ =	shalt  }
0x4b: {  	_ =	shalt  }
0x4c: {  	_ =	shalt  }
0x4d: {  	_ =	shalt  }
0x4e: {  	_ =	shalt  }
0x4f: {  	_ =	shalt  }
0x50: {  	_ =	shalt  }
0x51: {  	_ =	shalt  }
0x52: {  	_ =	shalt  }
0x53: {  	_ =	shalt  }
0x54: {  	_ =	shalt  }
0x55: {  	_ =	shalt  }
0x56: {  	_ =	shalt  }
0x57: {  	_ =	shalt  }
0x58: {  	_ =	shalt  }
0x59: {  	_ =	shalt  }
0x5a: {  	_ =	shalt  }
0x5b: {  	_ =	shalt  }
0x5c: {  	_ =	shalt  }
0x5d: {  	_ =	shalt  }
0x5e: {  	_ =	shalt  }
0x5f: {  	_ =	shalt  }
0x60: {  	_ =	shalt  }
0x61: {  	_ =	shalt  }
0x62: {  	_ =	shalt  }
0x63: {  	_ =	shalt  }
0x64: {  	_ =	shalt  }
0x65: {  	_ =	shalt  }
0x66: {  	_ =	shalt  }
0x67: {  	_ =	shalt  }
0x68: {  	_ =	shalt  }
0x69: {  	_ =	shalt  }
0x6a: {  	_ =	shalt  }
0x6b: {  	_ =	shalt  }
0x6c: {  	_ =	shalt  }
0x6d: {  	_ =	shalt  }
0x6e: {  	_ =	shalt  }
0x6f: {  	_ =	shalt  }
0x70: {  	_ =	shalt  }
0x71: {  	_ =	shalt  }
0x72: {  	_ =	shalt  }
0x73: {  	_ =	shalt  }
0x74: {  	_ =	shalt  }
0x75: {  	_ =	shalt  }
0x76: {  	_ =	shalt  }
0x77: {  	_ =	shalt  }
0x78: {  	_ =	shalt  }
0x79: {  	_ =	shalt  }
0x7a: {  	_ =	shalt  }
0x7b: {  	_ =	shalt  }
0x7c: {  	_ =	shalt  }
0x7d: {  	_ =	shalt  }
0x7e: {  	_ =	shalt  }
0x7f: {  	_ =	shalt  }
0x80: {  	_ =	shalt  }
0x81: {  	_ =	shalt  }
0x82: {  	_ =	shalt  }
0x83: {  	_ =	shalt  }
0x84: {  	_ =	shalt  }
0x85: {  	_ =	shalt  }
0x86: {  	_ =	shalt  }
0x87: {  	_ =	shalt  }
.Lfunc_end0:
.L_simem_size_0:
called_computation_lowered:
.L_overlay_start_0:
0x88: {  	s2 =	sld [smem:$0x3FD9]  }
0x89: {  	s3 =	sld [smem:$0x3FFE];
	_ =	sdelay $0x1  }
0x8a: {  	s1 =	srdreg.scid  }
0x8b: {  	s0 =	sand.u32 $0x1, s1  }
0x8c: {  	s16 =	sshll.u32 s0, $0xA;
	s2 =	sadd.s32 s3, s2  }
0x8d: {  	s2 =	sadd.s32 s2, s16  }
0x8e: {  	[smem:$0x3FC5] =	sst s2  }
0x8f: {  	_ = 	snop  }
0x90: {  	(tm) =	ssettm $0x1  }
0x91: {  	s17 =	sld [smem:$0x3FFB];
	_ =	sdelay $0x3  }
0x92: {  	_ =	strace s17  }
0x93: {  	s2 =	sld [smem:$0x3FFC];
	_ =	sdelay $0x3  }
0x94: {  	_ =	strace s2  }
0x95: {  	s2 =	sld [smem:$0x3FFD];
	_ =	sdelay $0x3  }
0x96: {  	_ =	strace s2  }
0x97: {  	_ =	strace $0x8FFFFFFF  }
0x98: {  	s18 =	sld [smem:$0x3FDB];
	_ =	sdelay $0x1  }
0x99: {  	s19 =	simm.s32 $_scs_section_size  }
0x9a: {  	s4 =	simm.s32 $_size__tile_overlayer_lowered;
	s5 =	simm.s32 $_tile_overlayer_lowered  }
0x9b: {  	s22 =	simm.s32 $0x1BFF;
	s21 =	sshll.u32 s5, $0x1;
	s2 =	sadd.s32 s19, s18  }
0x9c: {  	s6 =	simm.s32 $0x0;
	s20 =	sshll.u32 s4, $0x1;
	s4 =	sadd.s32 s21, s2  }
0x9d: {  	[timem:s6], [sflag:s22] =	dma.local [hbm:s4], s20  }
0x9e: {  	_ =	swait.ge [sflag:s22], s20  }
0x9f: {  	s3 =	ssub.s32 $0x0, s20;
	[sflag:s22] =	ssyncset.done $0x0  }
0xa0: {  	[sflag:s22] =	ssyncadd.s32 s3;
	_ =	sdelay $0x1  }
0xa1: {  	s23 =	simm.s32 $0x1B8B  }
0xa2: {  	_ =	swait.ge [sflag:s23], $0x1  }
0xa3: {  	[sflag:s23] =	ssyncset.done $0x0  }
0xa4: {  	s25 =	simm.s32 $0x1B8E;
	s24 =	sld [smem:$0x3FFE];
	[sflag:s23] =	ssyncadd.s32 $0xFFFFFFFF  }
0xa5: {  	s26 =	simm.s32 $execute0_lowered;
	[smem:$0x3FD2] =	sst s25  }
0xa6: {  	s4 =	sshll.u32 s26, $0x1;
	_ =	strace $0x80000046;
	[dreg:$0x1] =	wrdreg $0xFFFFFFFF  }
0xa7: {  	s28 =	simm.s32 $_size_execute0_lowered;
	s2 =	sadd.s32 s2, s4;
	[dreg:$0x0] =	wrdreg $0x0  }
0xa8: {  	s4 =	sshll.u32 s28, $0x1;
	[dreg:$0x2] =	wrdreg s2  }
0xa9: {  	[dreg:$0x3] =	wrdreg s4  }
0xaa: {  	[dreg:$0x4] =	wrdreg $0xC0  }
0xab: {  	_ =	task [dreg:s6], $0x5FFFF  }
0xac: {  	[dreg:$0x1] =	wrdreg $0xFFFFFFFF  }
0xad: {  	[dreg:$0x0] =	wrdreg $0x60  }
0xae: {  	[dreg:$0x2] =	wrdreg s24  }
0xaf: {  	[dreg:$0x3] =	wrdreg $0x9  }
0xb0: {  	_ =	task.clear_ibuf [dreg:s6], $0x4FFFF;
	_ =	strace $0x90000046  }
0xb1: {  	s29 =	simm.s32 $0x9;
	_ =	strace $0x80000048  }
0xb2: {  	_ =	swait.ge [sflag:s29], $0x1  }
0xb3: {  	[sflag:s29] =	ssyncadd.s32 $0xFFFFFFFF  }
0xb4: {  	_ =	strace $0x90000048  }
0xb5: {  	_ =	sfence  }
0xb6: {  	s30 =	sld [smem:$0x0];
	_ =	sdelay $0x2  }
0xb7: {  	s31 =	sshll.u32 s1, $0xD;
	s1 =	sshrl.u32 s1, $0x2  }
0xb8: {  	s3 =	sand.u32 $0x4000, s31;
	s1 =	sadd.s32 s1, s30  }
0xb9: {  	s0 =	sor.u32 s3, s0;
	s1 =	sshll.u32 s1, $0x11  }
0xba: {  	s0 =	sor.u32 s1, s0  }
0xbb: {  	s0 =	sadd.s32 $0x8F2B, s0  }
0xbc: {  	[sflag:s0] =	ssyncadd.remote.s32 $0x1  }
0xbd: {  	_ =	sfence.sel $0xFFFF  }
0xbe: {  	[dreg:$0x0] =	wrdreg $0xFFFFFFFF;
	(pc) =	sbr.abs _section_cstart, $3  }
0xbf: {  	[dreg:$0x1] =	wrdreg $0xFFFFFFFF  }
0xc0: {  	_ =	task.clear_ibuf [dreg:s6], $0x2FFFF;
	_ =	strace $0x9FFFFFFF  }
0xc1: {  	(tm) =	ssettm $0x7FFFFFFF  }
tec
execute0_lowered:
.L_overlay_start_1:
0x0: {  	(tag) =	ssettag $0x1  }
0x1: {  	v0 =	vlaneseq.u32  }
0x2: {  	s6 =	rddreg [dreg:$0x0];
	s2 =	simm.s32 $0x0;
	v6 =	vmul.u32 $0x88, v0  }
0x3: {  	s1 =	srdreg.scid;
	[smem:$0x7FF] =	sst s2  }
0x4: {  	s4 =	sand.u32 $0x1, s1;
	s1 =	rddreg [dreg:$0x1];
	_ =	strace $0x80000047;
	v10 =	vor.u32 $0x1, v6;
	[tilespmem:$0x1FF30] =	vst v6  }
0x5: {  	v2 =	vor.u32 $0x2, v6;
	[tilespmem:$0x1FF40] =	vst v10  }
0x6: {  	v1 =	vimm.s32 $0x0;
	vm0 =	vcmask $0x300;
	v4 =	vor.u32 $0x7, v6;
	[tilespmem:$0x1FF50] =	vst v2  }
0x7: {  	v1 =	vsel vm0, $0x3, v1;
	v33 =	vadd.s32 $0x882, v6;
	[tilespmem:$0x1FF60] =	vst v4  }
0x8: {  	v58 =	vadd.s32 $0x880, v6;
	v9 =	vadd.s32 $0x1100, v6;
	v14 =	vadd.s32 $0x1982, v6;
	[tilespmem:$0x1FF70] =	vst v33  }
0x9: {  	s0 =	stileid.u32;
	s10 =	simm.s32 $0x80;
	s11 =	simm.s32 $0x1000;
	v40 =	vadd.s32 $0x1980, v6;
	v12 =	vadd.s32 $0x881, v6;
	v5 =	vadd.s32 $0x883, v6;
	[tilespmem:$0x1FF80] =	vst v14  }
0xa: {  	s12 =	simm.s32 $0x3200;
	s13 =	simm.s32 $0x8;
	s14 =	simm.s32 $0x7;
	v60 =	vadd.s32 $0x1101, v6;
	v13 =	vadd.s32 $0x1981, v6;
	v3 =	vadd.s32 $0x1983, v6;
	[tilespmem:$0x1FF90] =	vst v5  }
0xb: {  	s15 =	simm.s32 $0x6;
	s16 =	simm.s32 $0x5;
	s3 =	sshll.u32 s0, $0x8;
	v16 =	vadd.s32 $0x1102, v6;
	v18 =	vor.u32 $0x3, v6;
	v0 =	vadd.s32 $0x1986, v6;
	[tilespmem:$0x1FFA0] =	vst v3  }
.Ltmp0:
0xc: {  	s5 =	sshll.u32 s4, $0x7;
	s7 =	ssub.s32 $0x2, s4;
	v20 =	vadd.s32 $0x1103, v6;
	v22 =	vor.u32 $0x4, v6;
	v32 =	vadd.s32 $0x1106, v6;
	[tilespmem:$0x1FFB0] =	vst v0;
	(pc) =	sbr.rel .LBB2_1-.Ltmp0, $4  }
0xd: {  	s17 =	simm.s32 $0x0;
	s3 =	sor.u32 s5, s3;
	s9 =	sshrl.u32 s7, $0x1;
	v23 =	vadd.s32 $0x884, v6;
	v24 =	vadd.s32 $0x1104, v6;
	v30 =	vor.u32 $0x6, v6;
	[tilespmem:$0x1FFC0] =	vst v32  }
0xe: {  	s4 =	sadd.s32 $0x19C00, s6;
	v25 =	vadd.s32 $0x1984, v6;
	v26 =	vor.u32 $0x5, v6;
	v28 =	vadd.s32 $0x1105, v6;
	s5 =	sshrl.u32 s3, $0x3;
	s9 =	ssub.s32 s7, s9;
	[tilespmem:$0x1FFD0] =	vst v30  }
0xf: {  	v27 =	vadd.s32 $0x885, v6;
	v29 =	vadd.s32 $0x1985, v6;
	v31 =	vadd.s32 $0x886, v6;
	[tilespmem:$0x1FFE0] =	vst v28;
	s8 =	sadd.s32 s5, s6;
	s5 =	sadd.s32 $0x400, s6;
	s6 =	sadd.s32 $0xDD200, s6  }
0x10: {  	v21 =	vadd.s32 $0x887, v6;
	v15 =	vadd.s32 $0x1107, v6;
	v11 =	vadd.s32 $0x1987, v6;
	[tilespmem:$0x1FFF0] =	vst v29;
	s7 =	sadd.s32 $0xC00, s8;
	s8 =	smax.u32 s9, $0x1;
	s9 =	simm.s32 $0x9  }
.LBB2_9:
0x11: {  	_ =	swait.ge [sflag:s13], $0x2000  }
0x12: {  	[sflag:s13] =	ssyncset.done $0x0  }
0x13: {  	[sflag:s13] =	ssyncadd.s32 $0xFFFFE000  }
0x14: {  	_ =	swait.ge [sflag:s14], $0x2000  }
0x15: {  	[sflag:s14] =	ssyncset.done $0x0  }
0x16: {  	s17 =	sadd.s32 $0x1, s17;
	[sflag:s14] =	ssyncadd.s32 $0xFFFFE000  }
0x17: {  	p0 =	sne.s32 s17, s8;
	_ =	swait.ge [sflag:s15], $0x2000  }
.Ltmp1:
0x18: {  	[sflag:s15] =	ssyncset.done $0x0;
	(pc) =	sbr.rel @!p0 .LBB2_10-.Ltmp1, $4  }
0x19: {  	[sflag:s15] =	ssyncadd.s32 $0xFFFFE000  }
0x1a: {  	_ =	swait.ge [sflag:s16], $0x2000  }
0x1b: {  	[sflag:s16] =	ssyncset.done $0x0  }
0x1c: {  	[sflag:s16] =	ssyncadd.s32 $0xFFFFE000  }
.LBB2_1:
0x1d: {  	[tilespmem:s2], [sflag:$0x9] =	stream.linear.gather [hbm4b:s5+s2], $0x3200, $0x38;
	[tilespmem:$0x19E00] =	vst v63  }
0x1e: {  	_ =	swait.ge [sflag:s9], $0x3200  }
0x1f: {  	[sflag:s9] =	ssyncset.done $0x0  }
.Ltmp2:
0x20: {  	[sflag:s9] =	ssyncadd.s32 $0xFFFFCE00;
	(pc) =	sbr.rel .LBB2_2-.Ltmp2, $4  }
0x21: {  	[tilespmem:s12], [sflag:$0x9] =	stream.strided.gather [hbm4b:s7+s10], $0x6400, s11, s10, $0x38;
	[tilespmem:$0x19E00] =	vst v63  }
0x22: {  	_ =	swait.ge [sflag:s9], $0x6400  }
0x23: {  	[sflag:s9] =	ssyncset.done $0x0  }
0x24: {  	s18 =	simm.s32 $0x0;
	[sflag:s9] =	ssyncadd.s32 $0xFFFF9C00  }
.LBB2_8:
0x25: {  	s18 =	sadd.s32 $0x1, s18  }
0x26: {  	p0 =	sne.s32 s18, $0xC9  }
.Ltmp3:
0x27: {  	_ = 	snop;
	(pc) =	sbr.rel @!p0 .LBB2_9-.Ltmp3, $1  }
0x28: {  	_ =	sdelay $0x3  }
.LBB2_2:
0x29: {  	p0 =	seq.s32 s18, $0xC8  }
0x2a: {  	p1 =	slt.u32 @!p0 s18, $0x4  }
0x2b: {  	p2 =	por p1, p0  }
0x2c: {  	s20 =	smov.u32 s18;
	p1 =	por !p1, p0;
	s19 =	sand.u32 @!p2 $0x3, s18  }
0x2d: {  	s20 =	smov.u32 @p1 s19;
	p1 =	seq.s32 @!p0 s18, $0x0  }
0x2e: {  	s21 =	sadd.s32 @!p2 $0x5, s19;
	p1 =	por p0, !p1  }
.Ltmp4:
0x2f: {  	s22 =	sshll.u32 @!p0 s18, $0x7;
	_ =	swait.ge @!p2 [sflag:s21], $0x2000;
	(pc) =	sbr.rel @!p1 .LBB2_8-.Ltmp4, $4  }
0x30: {  	s19 =	sshll.u32 @!p0 s20, $0xD;
	s20 =	sadd.s32 @!p0 $0x1, s20;
	[sflag:s21] =	ssyncset.done @!p2 $0x0  }
0x31: {  	s19 =	sand.u32 @!p0 $0x3FFFE000, s19;
	[sflag:s21] =	ssyncadd.s32 @!p2 $0xFFFFE000;
	s21 =	sand.u32 @!p0 $0x3FFFFF80, s22  }
0x32: {  	s19 =	sadd.s32 @!p0 $0x9600, s19;
	s22 =	simm.s32 @!p0 $0x80;
	s21 =	sadd.s32 @!p0 $0x3200, s21  }
0x33: {  	[tilespmem:s19], [sflag:s20] =	stream.indirect.gather @!p0 [hbm4b:s4+s22], $0x40, s21, s22, $0xb8;
	[tilespmem:$0x19E00] =	vst v63  }
0x34: {  	s20 =	simm.s32 $0x0;
	s24 =	simm.s32 $0x1  }
0x35: {  	s21 =	simm.s32 $0x2;
	s22 =	simm.s32 $0x3;
	s25 =	simm.s32 $0x4;
	v55 =	vmov s20;
	v34 =	vmov s24  }
0x36: {  	s26 =	simm.s32 $0x5;
	s28 =	simm.s32 $0x6;
	s29 =	simm.s32 $0x7;
	v35 =	vmov s21;
	v36 =	vmov s22;
	v37 =	vmov s25  }
0x37: {  	s30 =	simm.s32 $0x8;
	s31 =	simm.s32 $0x9;
	s23 =	simm.s32 $0xB;
	v38 =	vmov s26;
	v39 =	vmov s28;
	v56 =	vmov s29  }
0x38: {  	s19 =	sadd.s32 @!p0 $0xFFFFFFFF, s18;
	v41 =	vmov s30;
	v42 =	vmov s31;
	s22 =	simm.s32 $0xA;
	s24 =	simm.s32 $0xC;
	v44 =	vmov s23  }
0x39: {  	v28 =	vmovc v33;
	s19 =	simm.s32 @p0 $0xC7;
	s25 =	simm.s32 $0xD;
	s26 =	simm.s32 $0xE;
	v33 =	vshrl.u32 v55, $0x3;
	v43 =	vmov s22;
	v45 =	vmov s24  }
0x3a: {  	s20 =	sand.u32 $0x3, s19;
	v46 =	vmov s25;
	v47 =	vmov s26;
	v34 =	vshrl.u32 v34, $0x3  }
0x3b: {  	v29 =	vmovc v26;
	v48 =	vshrl.u32 v35, $0x3;
	v49 =	vshrl.u32 v36, $0x3;
	v50 =	vshrl.u32 v37, $0x3;
	s28 =	sadd.s32 $0x1, s20  }
0x3c: {  	v26 =	vmovc v16;
	v16 =	vmovc v40;
	v38 =	vshrl.u32 v38, $0x3;
	v39 =	vshrl.u32 v39, $0x3;
	v40 =	vshrl.u32 v56, $0x3;
	_ =	swait.ge [sflag:s28], $0x2000  }
0x3d: {  	s31 =	simm.s32 $0xF;
	s29 =	sshll.u32 s19, $0x8;
	v41 =	vshrl.u32 v41, $0x3;
	v42 =	vshrl.u32 v42, $0x3;
	v44 =	vshrl.u32 v44, $0x3;
	[sflag:s28] =	ssyncset.done $0x0  }
0x3e: {  	v57 =	vmov s31;
	v33 =	vshll.u32 v33, v1;
	s30 =	sshra.s32 s29, $0x2;
	v43 =	vshrl.u32 v43, $0x3;
	[sflag:s28] =	ssyncadd.s32 $0xFFFFE000  }
0x3f: {  	v45 =	vshrl.u32 v45, $0x3;
	v46 =	vshrl.u32 v46, $0x3;
	v47 =	vshrl.u32 v47, $0x3;
	v36 =	vld [tilespmem:s30+$0x0]  }
0x40: {  	v51 =	vshll.u32 v34, v1;
	v48 =	vshll.u32 v48, v1;
	v49 =	vshll.u32 v49, v1;
	v35 =	vld [tilespmem:s30+$0x10]  }
0x41: {  	s23 =	sshll.u32 s20, $0xD;
	v52 =	vshll.u32 v50, v1;
	v59 =	vshrl.u32 v57, $0x3;
	v37 =	vshll.u32 v38, v1;
	v34 =	vld [tilespmem:s30+$0x20]  }
0x42: {  	v53 =	vshll.u32 v39, v1;
	v7 =	vbroadcast v33, $0x0;
	s22 =	sor.u32 $0x9800, s23;
	v50 =	vshll.u32 v59, v1;
	v33 =	vld [tilespmem:s30+$0x30]  }
0x43: {  	v32 =	vmovc v27;
	v40 =	vshll.u32 v40, v1;
	v56 =	vshll.u32 v41, v1;
	v54 =	vbroadcast v50, $0x0;
	v41 =	vld [tilespmem:s22+$0x1C0]  }
0x44: {  	v27 =	vmovc v18;
	v19 =	vmovc v5;
	v42 =	vshll.u32 v42, v1;
	v43 =	vshll.u32 v43, v1;
	v8 =	vbroadcast v51, $0x0;
	v55 =	vld [tilespmem:s22+$0xFFFFFE00]  }
0x45: {  	v5 =	vmovc v14;
	v14 =	vmovc v58;
	v58 =	vshll.u32 v45, v1;
	v51 =	vbroadcast v48, $0x0;
	v57 =	vld [tilespmem:s22+$0xFFFFFE40];
	v59 =	vadd.s32 v4, v54  }
0x46: {  	v18 =	vmovc v12;
	v12 =	vmovc v60;
	s24 =	smul.u32 $0x8800, s20;
	v62 =	vshll.u32 v46, v1;
	v48 =	vbroadcast v49, $0x0;
	v60 =	vadd.s32 v6, v7;
	v61 =	vld [tilespmem:s22+$0xFFFFFE80]  }
0x47: {  	v45 =	vshll.u32 v47, v1;
	v52 =	vbroadcast v52, $0x0;
	v38 =	vmovc v2;
	v46 =	vadd.s32 v10, v8;
	v63 =	vld [tilespmem:s22+$0xFFFFFEC0]  }
0x48: {  	v17 =	vmovc v21;
	v50 =	vshll.u32 v44, v1;
	s21 =	sshrl.u32 s24, $0x2;
	v47 =	vadd.s32 v38, v51;
	v44 =	vld [tilespmem:s22+$0xFFFFFF00];
	v49 =	vadd.f32 v41, v36  }
0x49: {  	v21 =	vmovc v0;
	v2 =	vmovc v8;
	s21 =	sadd.s32 $0x11600, s21;
	v8 =	vbroadcast v37, $0x0;
	v0 =	vld [tilespmem:s22+$0xFFFFFF40];
	v55 =	vadd.f32 v55, v36;
	v41 =	vadd.s32 v27, v48  }
0x4a: {  	v53 =	vbroadcast v53, $0x0;
	v39 =	vadd.s32 v22, v52;
	v37 =	vadd.f32 v57, v36;
	v57 =	vld [tilespmem:s22+$0xFFFFFF80];
	[tilespmem:v59+s21+$0x0] =	vst.idx.msk $0xffff, v49  }
0x4b: {  	[tilespmem:v60+s21+$0x0] =	vst.idx.msk $0xffff, v55;
	v55 =	vadd.f32 v61, v36;
	v59 =	vadd.s32 v29, v8;
	v60 =	vld [tilespmem:s22+$0x1D0]  }
0x4c: {  	[tilespmem:v46+s21+$0x0] =	vst.idx.msk $0xffff, v37;
	v37 =	vadd.f32 v63, v36;
	v61 =	vadd.s32 v30, v53;
	v63 =	vld [tilespmem:s22+$0xFFFFFFC0];
	v49 =	vbroadcast v40, $0x0  }
0x4d: {  	v40 =	vadd.f32 v44, v36;
	v44 =	vld [tilespmem:s22+$0x0];
	v46 =	vbroadcast v56, $0x0;
	[tilespmem:v47+s21+$0x0] =	vst.idx.msk $0xffff, v55;
	v55 =	vadd.s32 v17, v54  }
0x4e: {  	v47 =	vbroadcast v42, $0x0;
	[tilespmem:v41+s21+$0x0] =	vst.idx.msk $0xffff, v37;
	v37 =	vadd.f32 v0, v36;
	v0 =	vadd.s32 v4, v49;
	v41 =	vld [tilespmem:s22+$0x40]  }
0x4f: {  	[tilespmem:v39+s21+$0x0] =	vst.idx.msk $0xffff, v40;
	v56 =	vadd.s32 v6, v46;
	v42 =	vbroadcast v43, $0x0;
	v40 =	vadd.f32 v57, v36;
	v57 =	vld [tilespmem:s22+$0x80]  }
0x50: {  	[tilespmem:v59+s21+$0x0] =	vst.idx.msk $0xffff, v37;
	v59 =	vadd.s32 v10, v47;
	v37 =	vld [tilespmem:s22+$0xC0];
	v10 =	vbroadcast v50, $0x0;
	v43 =	vadd.f32 v60, v35  }
0x51: {  	[tilespmem:v61+s21+$0x0] =	vst.idx.msk $0xffff, v40;
	v50 =	vadd.f32 v63, v36;
	v61 =	vld [tilespmem:s22+$0x100];
	v40 =	vbroadcast v58, $0x0;
	v60 =	vadd.s32 v38, v42  }
0x52: {  	v62 =	vbroadcast v62, $0x0;
	v58 =	vadd.f32 v44, v36;
	v44 =	vld [tilespmem:s22+$0x140];
	v63 =	vadd.s32 v27, v10;
	[tilespmem:v55+s21+$0x0] =	vst.idx.msk $0xffff, v43  }
0x53: {  	[tilespmem:v0+s21+$0x0] =	vst.idx.msk $0xffff, v50;
	v38 =	vadd.f32 v41, v36;
	v41 =	vadd.s32 v22, v40;
	v50 =	vld [tilespmem:s22+$0x1E0]  }
0x54: {  	[tilespmem:v56+s21+$0x0] =	vst.idx.msk $0xffff, v58;
	v56 =	vadd.s32 v29, v62;
	v55 =	vadd.f32 v57, v36;
	v57 =	vld [tilespmem:s22+$0x180];
	v43 =	vbroadcast v45, $0x0  }
0x55: {  	v45 =	vld [tilespmem:s22+$0xFFFFFE50];
	[tilespmem:v59+s21+$0x0] =	vst.idx.msk $0xffff, v38;
	v37 =	vadd.f32 v37, v36;
	v38 =	vadd.s32 v15, v54  }
0x56: {  	v58 =	vld [tilespmem:s22+$0xFFFFFE90];
	v59 =	vadd.s32 v30, v43;
	[tilespmem:v60+s21+$0x0] =	vst.idx.msk $0xffff, v55;
	v55 =	vadd.f32 v61, v36  }
0x57: {  	v60 =	vadd.s32 v18, v2;
	v61 =	vld [tilespmem:s22+$0xFFFFFED0];
	[tilespmem:v63+s21+$0x0] =	vst.idx.msk $0xffff, v37;
	v37 =	vadd.f32 v44, v36  }
0x58: {  	v44 =	vadd.s32 v28, v51;
	v63 =	vld [tilespmem:s22+$0xFFFFFF10];
	[tilespmem:v41+s21+$0x0] =	vst.idx.msk $0xffff, v55;
	v41 =	vadd.f32 v50, v34  }
0x59: {  	v55 =	vld [tilespmem:s22+$0xFFFFFF50];
	v50 =	vadd.s32 v19, v48;
	[tilespmem:v56+s21+$0x0] =	vst.idx.msk $0xffff, v37;
	v37 =	vadd.f32 v57, v36  }
0x5a: {  	v45 =	vadd.f32 v45, v35;
	v56 =	vadd.s32 v23, v52;
	v57 =	vld [tilespmem:s22+$0xFFFFFF90];
	[tilespmem:v38+s21+$0x0] =	vst.idx.msk $0xffff, v41  }
0x5b: {  	v38 =	vadd.f32 v58, v35;
	v41 =	vadd.s32 v32, v8;
	[tilespmem:v59+s21+$0x0] =	vst.idx.msk $0xffff, v37;
	v37 =	vld [tilespmem:s22+$0x1F0]  }
0x5c: {  	[tilespmem:v60+s21+$0x0] =	vst.idx.msk $0xffff, v45;
	v60 =	vadd.f32 v61, v35;
	v58 =	vadd.s32 v31, v53;
	v59 =	vld [tilespmem:s22+$0xFFFFFFD0]  }
0x5d: {  	v54 =	vadd.s32 v11, v54;
	v61 =	vadd.f32 v63, v35;
	v63 =	vld [tilespmem:s22+$0x10];
	[tilespmem:v44+s21+$0x0] =	vst.idx.msk $0xffff, v38  }
0x5e: {  	[tilespmem:v50+s21+$0x0] =	vst.idx.msk $0xffff, v60;
	v60 =	vadd.f32 v55, v35;
	v50 =	vadd.s32 v17, v49;
	v55 =	vld [tilespmem:s22+$0x50]  }
0x5f: {  	[tilespmem:v56+s21+$0x0] =	vst.idx.msk $0xffff, v61;
	v61 =	vadd.f32 v57, v35;
	v56 =	vadd.s32 v14, v46;
	v57 =	vld [tilespmem:s22+$0x90]  }
0x60: {  	v45 =	vld [tilespmem:s22+$0xD0];
	[tilespmem:v41+s21+$0x0] =	vst.idx.msk $0xffff, v60;
	v41 =	vadd.s32 v18, v47;
	v37 =	vadd.f32 v37, v33  }
0x61: {  	[tilespmem:v58+s21+$0x0] =	vst.idx.msk $0xffff, v61;
	v38 =	vadd.f32 v59, v35;
	v58 =	vadd.s32 v28, v42;
	v59 =	vld [tilespmem:s22+$0x110]  }
0x62: {  	v60 =	vadd.s32 v19, v10;
	v61 =	vld [tilespmem:s22+$0x150];
	v44 =	vadd.f32 v63, v35;
	[tilespmem:v54+s21+$0x0] =	vst.idx.msk $0xffff, v37  }
0x63: {  	[tilespmem:v50+s21+$0x0] =	vst.idx.msk $0xffff, v38;
	v63 =	vadd.f32 v55, v35;
	v38 =	vadd.s32 v23, v40;
	v50 =	vld [tilespmem:s22+$0x190]  }
0x64: {  	v54 =	vld [tilespmem:s22+$0xFFFFFE10];
	[tilespmem:v56+s21+$0x0] =	vst.idx.msk $0xffff, v44;
	v44 =	vadd.f32 v57, v35;
	v55 =	vadd.s32 v32, v62  }
0x65: {  	v56 =	vld [tilespmem:s22+$0xFFFFFE60];
	[tilespmem:v41+s21+$0x0] =	vst.idx.msk $0xffff, v63;
	v63 =	vadd.f32 v45, v35;
	v41 =	vadd.s32 v31, v43  }
0x66: {  	v45 =	vadd.s32 v14, v7;
	[tilespmem:v58+s21+$0x0] =	vst.idx.msk $0xffff, v44;
	v44 =	vadd.f32 v59, v35  }
0x67: {  	v58 =	vadd.s32 v12, v2;
	v37 =	vadd.f32 v61, v35;
	[tilespmem:v60+s21+$0x0] =	vst.idx.msk $0xffff, v63  }
0x68: {  	[tilespmem:v38+s21+$0x0] =	vst.idx.msk $0xffff, v44;
	v38 =	vadd.f32 v50, v35  }
0x69: {  	v57 =	vld [tilespmem:s22+$0xFFFFFEA0];
	v63 =	vadd.f32 v54, v35;
	[tilespmem:v55+s21+$0x0] =	vst.idx.msk $0xffff, v37  }
0x6a: {  	v59 =	vld [tilespmem:s22+$0xFFFFFEE0];
	v37 =	vadd.f32 v56, v34;
	[tilespmem:v41+s21+$0x0] =	vst.idx.msk $0xffff, v38  }
0x6b: {  	v61 =	vld [tilespmem:s22+$0xFFFFFF20];
	[tilespmem:v45+s21+$0x0] =	vst.idx.msk $0xffff, v63  }
0x6c: {  	v28 =	vld [tilespmem:$0x1FFE0];
	[tilespmem:v58+s21+$0x0] =	vst.idx.msk $0xffff, v37  }
0x6d: {  	v60 =	vadd.s32 v26, v51;
	v6 =	vld [tilespmem:$0x1FFC0]  }
0x6e: {  	v50 =	vadd.s32 v20, v48;
	v54 =	vld [tilespmem:s22+$0xFFFFFF60]  }
0x6f: {  	v55 =	vadd.s32 v24, v52;
	v44 =	vld [tilespmem:s22+$0xFFFFFFE0]  }
0x70: {  	v56 =	vld [tilespmem:s22+$0xFFFFFFA0];
	v63 =	vadd.f32 v57, v34  }
0x71: {  	v37 =	vadd.f32 v59, v34;
	v58 =	vadd.s32 v15, v49  }
0x72: {  	[tilespmem:v60+s21+$0x0] =	vst.idx.msk $0xffff, v63;
	v63 =	vadd.f32 v61, v34;
	v45 =	vadd.s32 v6, v53  }
0x73: {  	v57 =	vld [tilespmem:s22+$0x20];
	[tilespmem:v50+s21+$0x0] =	vst.idx.msk $0xffff, v37;
	v41 =	vadd.s32 v28, v8  }
0x74: {  	v59 =	vld [tilespmem:s22+$0x60];
	[tilespmem:v55+s21+$0x0] =	vst.idx.msk $0xffff, v63;
	v63 =	vadd.f32 v44, v34  }
0x75: {  	v60 =	vadd.f32 v54, v34;
	v50 =	vadd.s32 v9, v46;
	v54 =	vld [tilespmem:s22+$0xA0];
	v61 =	vadd.f32 v56, v34  }
0x76: {  	v56 =	vld [tilespmem:s22+$0xE0];
	v55 =	vadd.s32 v12, v47;
	[tilespmem:v58+s21+$0x0] =	vst.idx.msk $0xffff, v63  }
0x77: {  	v44 =	vld [tilespmem:s22+$0x160];
	[tilespmem:v45+s21+$0x0] =	vst.idx.msk $0xffff, v61;
	v45 =	vadd.s32 v26, v42  }
0x78: {  	v38 =	vadd.f32 v57, v34;
	v58 =	vadd.s32 v20, v10;
	[tilespmem:v41+s21+$0x0] =	vst.idx.msk $0xffff, v60;
	v41 =	vld [tilespmem:s22+$0x120]  }
0x79: {  	v39 =	vld [tilespmem:s22+$0xFFFFFEF0];
	v37 =	vadd.f32 v59, v34  }
0x7a: {  	v57 =	vld [tilespmem:s22+$0x1A0];
	v59 =	vadd.s32 v24, v40;
	[tilespmem:v50+s21+$0x0] =	vst.idx.msk $0xffff, v38;
	v38 =	vadd.f32 v54, v34  }
0x7b: {  	s23 =	simm.s32 $0x10;
	v54 =	vld [tilespmem:s22+$0xFFFFFE70];
	[tilespmem:v55+s21+$0x0] =	vst.idx.msk $0xffff, v37;
	v37 =	vadd.f32 v56, v34  }
0x7c: {  	v63 =	vadd.s32 v13, v2;
	v50 =	vadd.s32 v28, v62;
	v60 =	vld [tilespmem:s22+$0xFFFFFE20];
	[tilespmem:v45+s21+$0x0] =	vst.idx.msk $0xffff, v38;
	v38 =	vmov s23  }
0x7d: {  	v55 =	vadd.s32 v6, v43;
	[tilespmem:v58+s21+$0x0] =	vst.idx.msk $0xffff, v37;
	v61 =	vld [tilespmem:s22+$0xFFFFFEB0];
	v41 =	vadd.f32 v41, v34;
	v2 =	vshrl.u32 v38, $0x3  }
0x7e: {  	s25 =	simm.s32 $0x11;
	v56 =	vadd.s32 v9, v7;
	v45 =	vadd.s32 v5, v51;
	v51 =	vld [tilespmem:s22+$0xFFFFFF30];
	[tilespmem:$0x1FF00] =	vst v2  }
0x7f: {  	v44 =	vadd.f32 v44, v34;
	v2 =	vmov s25;
	[tilespmem:v59+s21+$0x0] =	vst.idx.msk $0xffff, v41  }
0x80: {  	v57 =	vadd.f32 v57, v34;
	v58 =	vld [tilespmem:s22+$0xFFFFFF70];
	[tilespmem:$0x1FF10] =	vst v2  }
0x81: {  	v38 =	vadd.f32 v60, v34;
	v59 =	vld [tilespmem:s22+$0xFFFFFFB0];
	[tilespmem:v50+s21+$0x0] =	vst.idx.msk $0xffff, v44  }
0x82: {  	s29 =	simm.s32 $0x14;
	v0 =	vmov v15;
	v48 =	vadd.s32 v3, v48;
	v52 =	vadd.s32 v25, v52;
	v15 =	vld [tilespmem:$0x1FFF0];
	[tilespmem:v55+s21+$0x0] =	vst.idx.msk $0xffff, v57  }
0x83: {  	v54 =	vadd.f32 v54, v33;
	v2 =	vmov s29;
	v44 =	vadd.f32 v61, v33;
	v61 =	vld [tilespmem:s22+$0xFFFFFFF0];
	[tilespmem:v56+s21+$0x0] =	vst.idx.msk $0xffff, v38  }
0x84: {  	v53 =	vadd.s32 v21, v53;
	v57 =	vld [tilespmem:s22+$0x30];
	[tilespmem:$0x1FF20] =	vst v2  }
0x85: {  	v39 =	vadd.f32 v39, v33;
	v37 =	vadd.s32 v11, v49;
	v38 =	vld [tilespmem:s22+$0x70];
	[tilespmem:v63+s21+$0x0] =	vst.idx.msk $0xffff, v54  }
0x86: {  	v46 =	vadd.s32 v16, v46;
	v51 =	vadd.f32 v51, v33;
	v63 =	vld [tilespmem:s22+$0xB0];
	[tilespmem:v45+s21+$0x0] =	vst.idx.msk $0xffff, v44  }
0x87: {  	v45 =	vadd.s32 v13, v47;
	[tilespmem:v48+s21+$0x0] =	vst.idx.msk $0xffff, v39;
	v44 =	vadd.f32 v59, v33  }
0x88: {  	v42 =	vadd.s32 v5, v42;
	[tilespmem:v52+s21+$0x0] =	vst.idx.msk $0xffff, v51;
	v48 =	vadd.f32 v61, v33  }
0x89: {  	v60 =	vadd.s32 v15, v8;
	v51 =	vadd.f32 v57, v33;
	[tilespmem:v53+s21+$0x0] =	vst.idx.msk $0xffff, v44  }
0x8a: {  	[tilespmem:v37+s21+$0x0] =	vst.idx.msk $0xffff, v48;
	v56 =	vadd.f32 v38, v33  }
0x8b: {  	v44 =	vadd.f32 v63, v33;
	[tilespmem:v46+s21+$0x0] =	vst.idx.msk $0xffff, v51  }
0x8c: {  	v58 =	vadd.f32 v58, v33;
	[tilespmem:v45+s21+$0x0] =	vst.idx.msk $0xffff, v56  }
0x8d: {  	[tilespmem:v42+s21+$0x0] =	vst.idx.msk $0xffff, v44  }
0x8e: {  	[tilespmem:v60+s21+$0x0] =	vst.idx.msk $0xffff, v58  }
0x8f: {  	v39 =	vadd.s32 v16, v7;
	v7 =	vld [tilespmem:$0x1FF00]  }
0x90: {  	v47 =	vld [tilespmem:s22+$0xF0]  }
0x91: {  	v59 =	vld [tilespmem:s22+$0x130]  }
0x92: {  	s24 =	simm.s32 $0x17;
	v61 =	vld [tilespmem:s22+$0x170];
	v57 =	vadd.s32 v3, v10  }
0x93: {  	s26 =	simm.s32 $0x12;
	s30 =	simm.s32 $0x15;
	v43 =	vadd.s32 v21, v43;
	v41 =	vmov s24;
	v38 =	vadd.s32 v25, v40;
	v60 =	vld [tilespmem:s22+$0x1B0]  }
0x94: {  	v50 =	vmov s26;
	v55 =	vmov s30;
	v37 =	vshll.u32 v7, v1;
	v7 =	vld [tilespmem:$0x1FF10]  }
0x95: {  	s31 =	simm.s32 $0x16;
	s28 =	simm.s32 $0x13;
	v50 =	vshrl.u32 v50, $0x3;
	v49 =	vld [tilespmem:s22+$0xFFFFFE30];
	v62 =	vadd.s32 v15, v62;
	v47 =	vadd.f32 v47, v33  }
0x96: {  	s25 =	simm.s32 $0x18;
	v54 =	vmov s31;
	v8 =	vmov s28;
	s28 =	simm.s32 $0x1A;
	v46 =	vadd.f32 v59, v33  }
0x97: {  	v21 =	vmovc v17;
	s29 =	simm.s32 $0x1B;
	s30 =	simm.s32 $0x1C;
	v52 =	vmov s25;
	v53 =	vmov s28;
	v48 =	vshrl.u32 v55, $0x3;
	[tilespmem:v57+s21+$0x0] =	vst.idx.msk $0xffff, v47  }
0x98: {  	v2 =	vmovc v11;
	v11 =	vmovc v18;
	s31 =	simm.s32 $0x1D;
	v63 =	vmov s29;
	v40 =	vmov s30;
	v61 =	vadd.f32 v61, v33;
	[tilespmem:v38+s21+$0x0] =	vst.idx.msk $0xffff, v46  }
0x99: {  	s24 =	simm.s32 $0x1E;
	v18 =	vmovc v27;
	v27 =	vmovc v32;
	v56 =	vmov s31;
	v42 =	vadd.f32 v60, v33;
	v44 =	vshrl.u32 v7, $0x3;
	v7 =	vld [tilespmem:$0x1FF20]  }
0x9a: {  	s26 =	simm.s32 $0x19;
	v32 =	vmovc v6;
	v6 =	vmovc v4;
	v59 =	vmov s24;
	v45 =	vshrl.u32 v8, $0x3;
	v60 =	vadd.f32 v49, v33;
	[tilespmem:v62+s21+$0x0] =	vst.idx.msk $0xffff, v61  }
0x9b: {  	v17 =	vmovc v2;
	v8 =	vmovc v9;
	v58 =	vmov s26;
	v49 =	vshrl.u32 v54, $0x3;
	v46 =	vshrl.u32 v41, $0x3;
	[tilespmem:v43+s21+$0x0] =	vst.idx.msk $0xffff, v42  }
0x9c: {  	v9 =	vmovc v16;
	v16 =	vmovc v26;
	v47 =	vshrl.u32 v52, $0x3;
	v38 =	vshrl.u32 v58, $0x3;
	v41 =	vshrl.u32 v40, $0x3;
	[tilespmem:v39+s21+$0x0] =	vst.idx.msk $0xffff, v60  }
0x9d: {  	v26 =	vmovc v29;
	v29 =	vmovc v15;
	v40 =	vshrl.u32 v59, $0x3;
	v37 =	vbroadcast v37, $0x0;
	v42 =	vshrl.u32 v53, $0x3;
	v30 =	vld [tilespmem:$0x1FFD0]  }
0x9e: {  	s23 =	simm.s32 $0x20;
	s24 =	simm.s32 $0x1F;
	v15 =	vmovc v0;
	v43 =	vshrl.u32 v63, $0x3;
	v39 =	vshrl.u32 v56, $0x3;
	v51 =	vshrl.u32 v7, $0x3;
	v7 =	vmovc v14;
	v14 =	vld [tilespmem:$0x1FF50]  }
.LBB2_4:
0x9f: {  	v60 =	vmov s24;
	v19 =	vld [tilespmem:$0x1FF30]  }
0xa0: {  	v53 =	vshll.u32 v50, v1;
	s22 =	sadd.s32 $0x400, s22;
	v10 =	vld [tilespmem:$0x1FF40];
	v50 =	vshrl.u32 v60, $0x3  }
0xa1: {  	v44 =	vshll.u32 v44, v1;
	v45 =	vshll.u32 v45, v1;
	v57 =	vld [tilespmem:s22+$0x1C0];
	v61 =	vshll.u32 v50, v1  }
0xa2: {  	v54 =	vshll.u32 v51, v1;
	v48 =	vshll.u32 v48, v1;
	v58 =	vld [tilespmem:s22+$0xFFFFFE00];
	v52 =	vbroadcast v61, $0x0  }
0xa3: {  	v55 =	vshll.u32 v49, v1;
	v46 =	vshll.u32 v46, v1;
	v60 =	vshll.u32 v43, v1;
	v43 =	vld [tilespmem:s22+$0xFFFFFE40]  }
0xa4: {  	v56 =	vshll.u32 v47, v1;
	v62 =	vld [tilespmem:s22+$0xFFFFFE80];
	v50 =	vbroadcast v44, $0x0;
	v44 =	vadd.s32 v6, v52  }
0xa5: {  	v59 =	vshll.u32 v42, v1;
	v0 =	vld [tilespmem:s22+$0xFFFFFEC0];
	v49 =	vbroadcast v45, $0x0;
	v61 =	vadd.s32 v19, v37  }
0xa6: {  	v51 =	vbroadcast v53, $0x0;
	v45 =	vld [tilespmem:s22+$0xFFFFFF00];
	v47 =	vbroadcast v54, $0x0;
	v63 =	vadd.s32 v10, v50  }
0xa7: {  	v3 =	vld [tilespmem:s22+$0xFFFFFF40];
	v54 =	vadd.f32 v57, v36;
	v57 =	vadd.f32 v58, v36;
	v58 =	vadd.s32 v18, v49  }
0xa8: {  	v2 =	vshll.u32 v40, v1;
	v42 =	vbroadcast v48, $0x0;
	v5 =	vld [tilespmem:s22+$0xFFFFFF80];
	v40 =	vadd.s32 v14, v51  }
0xa9: {  	v48 =	vbroadcast v46, $0x0;
	v46 =	vld [tilespmem:s22+$0x0];
	v4 =	vadd.s32 v22, v47;
	v43 =	vadd.f32 v43, v36;
	[tilespmem:v44+s21+$0x0] =	vst.idx.msk $0xffff, v54  }
0xaa: {  	v53 =	vshll.u32 v39, v1;
	v39 =	vbroadcast v55, $0x0;
	v0 =	vadd.f32 v0, v36;
	[tilespmem:v61+s21+$0x0] =	vst.idx.msk $0xffff, v57;
	v61 =	vld [tilespmem:s22+$0xFFFFFFC0]  }
0xab: {  	v44 =	vadd.f32 v62, v36;
	v54 =	vadd.s32 v26, v42;
	[tilespmem:v63+s21+$0x0] =	vst.idx.msk $0xffff, v43;
	v43 =	vbroadcast v59, $0x0;
	v59 =	vld [tilespmem:s22+$0x100]  }
0xac: {  	v57 =	vadd.s32 v30, v39;
	v62 =	vadd.f32 v45, v36;
	v55 =	vld [tilespmem:s22+$0x1D0];
	[tilespmem:v58+s21+$0x0] =	vst.idx.msk $0xffff, v0  }
0xad: {  	v38 =	vshll.u32 v38, v1;
	v58 =	vld [tilespmem:s22+$0x40];
	[tilespmem:v40+s21+$0x0] =	vst.idx.msk $0xffff, v44;
	v44 =	vbroadcast v56, $0x0  }
0xae: {  	v45 =	vbroadcast v38, $0x0;
	v0 =	vadd.f32 v3, v36;
	v56 =	vadd.s32 v21, v52;
	[tilespmem:v4+s21+$0x0] =	vst.idx.msk $0xffff, v62;
	v62 =	vld [tilespmem:s22+$0x80]  }
0xaf: {  	v3 =	vadd.s32 v6, v48;
	v4 =	vadd.f32 v5, v36;
	v5 =	vadd.s32 v19, v44;
	v19 =	vld [tilespmem:$0x1FF90]  }
0xb0: {  	v41 =	vshll.u32 v41, v1;
	[tilespmem:v54+s21+$0x0] =	vst.idx.msk $0xffff, v0;
	v0 =	vadd.s32 v10, v45;
	v54 =	vld [tilespmem:s22+$0xC0]  }
0xb1: {  	v40 =	vbroadcast v60, $0x0;
	[tilespmem:v57+s21+$0x0] =	vst.idx.msk $0xffff, v4;
	v4 =	vadd.f32 v61, v36;
	v61 =	vld [tilespmem:s22+$0x140];
	v55 =	vadd.f32 v55, v35  }
0xb2: {  	v41 =	vbroadcast v41, $0x0;
	v57 =	vadd.s32 v14, v43;
	v10 =	vld [tilespmem:$0x1FF70]  }
0xb3: {  	v46 =	vadd.f32 v46, v36;
	v38 =	vbroadcast v53, $0x0;
	v60 =	vadd.s32 v18, v40;
	[tilespmem:v56+s21+$0x0] =	vst.idx.msk $0xffff, v55;
	v56 =	vld [tilespmem:s22+$0x180]  }
0xb4: {  	[tilespmem:v3+s21+$0x0] =	vst.idx.msk $0xffff, v4;
	v3 =	vadd.f32 v58, v36;
	v4 =	vadd.s32 v22, v41;
	v53 =	vld [tilespmem:s22+$0x1E0]  }
0xb5: {  	v55 =	vadd.s32 v26, v38;
	v63 =	vld [tilespmem:s22+$0xFFFFFFD0];
	[tilespmem:v5+s21+$0x0] =	vst.idx.msk $0xffff, v46;
	v5 =	vadd.f32 v62, v36;
	v46 =	vbroadcast v2, $0x0  }
0xb6: {  	v2 =	vld [tilespmem:s22+$0xFFFFFE50];
	[tilespmem:v0+s21+$0x0] =	vst.idx.msk $0xffff, v3;
	v0 =	vadd.f32 v54, v36;
	v3 =	vadd.s32 v15, v52  }
0xb7: {  	v54 =	vld [tilespmem:s22+$0xFFFFFE90];
	[tilespmem:v57+s21+$0x0] =	vst.idx.msk $0xffff, v5;
	v5 =	vadd.f32 v59, v36;
	v57 =	vadd.s32 v30, v46  }
0xb8: {  	v58 =	vadd.s32 v11, v50;
	v62 =	vld [tilespmem:s22+$0x10];
	[tilespmem:v60+s21+$0x0] =	vst.idx.msk $0xffff, v0;
	v0 =	vadd.f32 v61, v36  }
0xb9: {  	v59 =	vld [tilespmem:s22+$0xFFFFFED0];
	[tilespmem:v4+s21+$0x0] =	vst.idx.msk $0xffff, v5;
	v4 =	vadd.f32 v53, v34  }
0xba: {  	v60 =	vadd.s32 v10, v51;
	v61 =	vld [tilespmem:s22+$0xFFFFFF10];
	[tilespmem:v55+s21+$0x0] =	vst.idx.msk $0xffff, v0;
	v0 =	vadd.f32 v56, v36  }
0xbb: {  	v5 =	vadd.s32 v19, v49;
	v53 =	vld [tilespmem:s22+$0xFFFFFF50];
	v2 =	vadd.f32 v2, v35;
	[tilespmem:v3+s21+$0x0] =	vst.idx.msk $0xffff, v4  }
0xbc: {  	v52 =	vadd.s32 v17, v52;
	v55 =	vadd.s32 v23, v47;
	v56 =	vld [tilespmem:s22+$0xFFFFFF90];
	[tilespmem:v57+s21+$0x0] =	vst.idx.msk $0xffff, v0  }
0xbd: {  	v3 =	vadd.f32 v54, v35;
	v4 =	vadd.s32 v27, v42;
	[tilespmem:v58+s21+$0x0] =	vst.idx.msk $0xffff, v2;
	v0 =	vld [tilespmem:s22+$0x1F0]  }
0xbe: {  	v2 =	vadd.f32 v59, v35;
	v54 =	vadd.s32 v31, v39;
	v57 =	vld [tilespmem:s22+$0x110];
	v58 =	vadd.f32 v62, v35  }
0xbf: {  	v59 =	vadd.s32 v19, v40;
	v19 =	vld [tilespmem:$0x1FFA0];
	[tilespmem:v60+s21+$0x0] =	vst.idx.msk $0xffff, v3;
	v3 =	vadd.f32 v61, v35  }
0xc0: {  	[tilespmem:v5+s21+$0x0] =	vst.idx.msk $0xffff, v2;
	v5 =	vadd.s32 v21, v48;
	v2 =	vadd.f32 v53, v35;
	v53 =	vld [tilespmem:s22+$0x50]  }
0xc1: {  	[tilespmem:v55+s21+$0x0] =	vst.idx.msk $0xffff, v3;
	v3 =	vadd.f32 v56, v35;
	v55 =	vadd.s32 v7, v44;
	v56 =	vld [tilespmem:s22+$0x90]  }
0xc2: {  	[tilespmem:v4+s21+$0x0] =	vst.idx.msk $0xffff, v2;
	v2 =	vadd.s32 v11, v45;
	v4 =	vld [tilespmem:s22+$0xD0];
	v0 =	vadd.f32 v0, v33  }
0xc3: {  	[tilespmem:v54+s21+$0x0] =	vst.idx.msk $0xffff, v3;
	v3 =	vadd.f32 v63, v35;
	v54 =	vadd.s32 v10, v43  }
0xc4: {  	v60 =	vld [tilespmem:s22+$0x150];
	v61 =	vadd.s32 v20, v49;
	v49 =	vadd.s32 v19, v49;
	[tilespmem:v52+s21+$0x0] =	vst.idx.msk $0xffff, v0  }
0xc5: {  	[tilespmem:v5+s21+$0x0] =	vst.idx.msk $0xffff, v3;
	v0 =	vadd.f32 v53, v35;
	v3 =	vadd.s32 v23, v41;
	v5 =	vld [tilespmem:s22+$0x190]  }
0xc6: {  	v52 =	vld [tilespmem:s22+$0xFFFFFE10];
	v53 =	vadd.f32 v57, v35;
	[tilespmem:v55+s21+$0x0] =	vst.idx.msk $0xffff, v58;
	v63 =	vadd.f32 v56, v35  }
0xc7: {  	v55 =	vadd.s32 v27, v38;
	v56 =	vld [tilespmem:s22+$0xFFFFFE60];
	[tilespmem:v2+s21+$0x0] =	vst.idx.msk $0xffff, v0;
	v0 =	vadd.f32 v4, v35  }
0xc8: {  	v62 =	vld [tilespmem:s22+$0xFFFFFF60];
	v2 =	vadd.s32 v31, v46;
	v4 =	vadd.s32 v7, v37;
	[tilespmem:v54+s21+$0x0] =	vst.idx.msk $0xffff, v63  }
0xc9: {  	v58 =	vld [tilespmem:s22+$0xFFFFFEA0];
	v54 =	vadd.s32 v12, v50;
	[tilespmem:v59+s21+$0x0] =	vst.idx.msk $0xffff, v0;
	v0 =	vadd.f32 v60, v35  }
0xca: {  	v10 =	vld [tilespmem:$0x1FF80];
	v59 =	vadd.s32 v16, v51;
	[tilespmem:v3+s21+$0x0] =	vst.idx.msk $0xffff, v53;
	v3 =	vadd.f32 v5, v35  }
0xcb: {  	v57 =	vld [tilespmem:s22+$0xFFFFFEE0];
	v5 =	vadd.f32 v52, v35;
	v52 =	vadd.s32 v28, v38;
	v38 =	vadd.s32 v29, v38  }
0xcc: {  	v60 =	vld [tilespmem:s22+$0xFFFFFF20];
	[tilespmem:v55+s21+$0x0] =	vst.idx.msk $0xffff, v0;
	v0 =	vadd.f32 v56, v34;
	v55 =	vadd.s32 v24, v47  }
0xcd: {  	v63 =	vld [tilespmem:s22+$0xFFFFFFA0];
	v56 =	vadd.s32 v8, v37;
	v47 =	vadd.s32 v25, v47;
	[tilespmem:v2+s21+$0x0] =	vst.idx.msk $0xffff, v3  }
0xce: {  	v37 =	vadd.s32 v9, v37;
	[tilespmem:v4+s21+$0x0] =	vst.idx.msk $0xffff, v5;
	v2 =	vadd.f32 v58, v34;
	v4 =	vld [tilespmem:s22+$0xFFFFFFE0]  }
0xcf: {  	v3 =	vadd.s32 v28, v42;
	v5 =	vadd.s32 v32, v39;
	v58 =	vld [tilespmem:s22+$0x60];
	v42 =	vadd.s32 v29, v42  }
0xd0: {  	[tilespmem:v54+s21+$0x0] =	vst.idx.msk $0xffff, v0;
	v0 =	vadd.f32 v57, v34;
	v54 =	vld [tilespmem:s22+$0x20];
	v57 =	vadd.s32 v15, v48  }
0xd1: {  	v48 =	vadd.s32 v17, v48;
	[tilespmem:v59+s21+$0x0] =	vst.idx.msk $0xffff, v2;
	v2 =	vadd.f32 v60, v34;
	v60 =	vld [tilespmem:s22+$0xE0]  }
0xd2: {  	[tilespmem:v61+s21+$0x0] =	vst.idx.msk $0xffff, v0;
	v0 =	vadd.f32 v62, v34;
	v61 =	vadd.s32 v8, v44;
	v62 =	vld [tilespmem:s22+$0xA0]  }
0xd3: {  	v59 =	vld [tilespmem:s22+$0xFFFFFE20];
	[tilespmem:v55+s21+$0x0] =	vst.idx.msk $0xffff, v2;
	v2 =	vadd.f32 v63, v34;
	v63 =	vadd.s32 v12, v45  }
0xd4: {  	[tilespmem:v3+s21+$0x0] =	vst.idx.msk $0xffff, v0;
	v0 =	vadd.f32 v4, v34;
	v3 =	vadd.s32 v16, v43;
	v4 =	vld [tilespmem:s22+$0x120]  }
0xd5: {  	v53 =	vld [tilespmem:s22+$0xFFFFFE70];
	v44 =	vadd.s32 v9, v44;
	[tilespmem:v5+s21+$0x0] =	vst.idx.msk $0xffff, v2;
	v2 =	vadd.f32 v54, v34  }
0xd6: {  	v5 =	vadd.s32 v20, v40;
	v54 =	vld [tilespmem:s22+$0x160];
	[tilespmem:v57+s21+$0x0] =	vst.idx.msk $0xffff, v0;
	v0 =	vadd.f32 v58, v34  }
0xd7: {  	v57 =	vadd.s32 v24, v41;
	v58 =	vld [tilespmem:s22+$0x1A0];
	[tilespmem:v61+s21+$0x0] =	vst.idx.msk $0xffff, v2;
	v2 =	vadd.f32 v62, v34  }
0xd8: {  	v61 =	vadd.f32 v59, v34;
	[tilespmem:v63+s21+$0x0] =	vst.idx.msk $0xffff, v0;
	v0 =	vadd.f32 v60, v34;
	v60 =	vld [tilespmem:s22+$0xFFFFFEB0]  }
0xd9: {  	v55 =	vadd.s32 v32, v46;
	[tilespmem:v3+s21+$0x0] =	vst.idx.msk $0xffff, v2;
	v2 =	vadd.f32 v4, v34;
	v4 =	vld [tilespmem:s22+$0xFFFFFEF0]  }
0xda: {  	v45 =	vadd.s32 v13, v45;
	v3 =	vadd.s32 v13, v50;
	[tilespmem:v56+s21+$0x0] =	vst.idx.msk $0xffff, v61;
	v61 =	vld [tilespmem:$0x1FFB0]  }
0xdb: {  	v50 =	vadd.s32 v10, v51;
	v51 =	vld [tilespmem:s22+$0xFFFFFF30];
	[tilespmem:v5+s21+$0x0] =	vst.idx.msk $0xffff, v0;
	v0 =	vadd.f32 v54, v34  }
0xdc: {  	s26 =	sadd.s32 $0x3, s23;
	v41 =	vadd.s32 v25, v41;
	[tilespmem:v57+s21+$0x0] =	vst.idx.msk $0xffff, v2;
	v2 =	vadd.f32 v58, v34;
	v57 =	vld [tilespmem:s22+$0xFFFFFF70]  }
0xdd: {  	v62 =	vadd.f32 v53, v33;
	v53 =	vld [tilespmem:s22+$0xFFFFFFB0];
	v56 =	vmov s26;
	s26 =	sadd.s32 $0x9, s23;
	v5 =	vmov s23;
	[tilespmem:v52+s21+$0x0] =	vst.idx.msk $0xffff, v0  }
0xde: {  	s31 =	sadd.s32 $0x1, s23;
	v5 =	vshrl.u32 v5, $0x3;
	v58 =	vmov s26;
	[tilespmem:v55+s21+$0x0] =	vst.idx.msk $0xffff, v2;
	v54 =	vadd.f32 v60, v33;
	v55 =	vld [tilespmem:s22+$0xFFFFFFF0]  }
0xdf: {  	s28 =	sadd.s32 $0x4, s23;
	v0 =	vmov s31;
	[tilespmem:v3+s21+$0x0] =	vst.idx.msk $0xffff, v62;
	v3 =	vadd.f32 v4, v33;
	v4 =	vadd.s32 v61, v39;
	v39 =	vld [tilespmem:s22+$0x30]  }
0xe0: {  	s25 =	sadd.s32 $0x2, s23;
	v52 =	vmov s28;
	s28 =	sadd.s32 $0xA, s23;
	v5 =	vshll.u32 v5, v1;
	v60 =	vld [tilespmem:s22+$0x70];
	v63 =	vadd.f32 v51, v33;
	[tilespmem:v50+s21+$0x0] =	vst.idx.msk $0xffff, v54  }
0xe1: {  	v2 =	vmov s25;
	v59 =	vmov s28;
	v62 =	vld [tilespmem:s22+$0xB0];
	[tilespmem:v49+s21+$0x0] =	vst.idx.msk $0xffff, v3;
	v3 =	vadd.f32 v57, v33  }
0xe2: {  	s29 =	sadd.s32 $0x5, s23;
	v46 =	vadd.s32 v61, v46;
	v51 =	vshrl.u32 v52, $0x3;
	[tilespmem:v47+s21+$0x0] =	vst.idx.msk $0xffff, v63;
	v63 =	vadd.f32 v53, v33;
	v47 =	vld [tilespmem:s22+$0x1B0]  }
0xe3: {  	s30 =	sadd.s32 $0x6, s23;
	s31 =	sadd.s32 $0x7, s23;
	v54 =	vmov s29;
	v50 =	vld [tilespmem:s22+$0xF0];
	[tilespmem:v42+s21+$0x0] =	vst.idx.msk $0xffff, v3;
	v3 =	vadd.f32 v55, v33;
	v42 =	vadd.s32 v10, v43  }
0xe4: {  	v57 =	vmov s30;
	v53 =	vmov s31;
	s30 =	sadd.s32 $0xC, s23;
	v43 =	vld [tilespmem:s22+$0x130];
	[tilespmem:v4+s21+$0x0] =	vst.idx.msk $0xffff, v63;
	v4 =	vadd.f32 v39, v33  }
0xe5: {  	s25 =	sadd.s32 $0x8, s23;
	v61 =	vmov s30;
	v39 =	vadd.s32 v19, v40;
	v40 =	vld [tilespmem:s22+$0x170];
	[tilespmem:v48+s21+$0x0] =	vst.idx.msk $0xffff, v3;
	v3 =	vadd.f32 v60, v33  }
0xe6: {  	v49 =	vshrl.u32 v57, $0x3;
	v55 =	vmov s25;
	s25 =	sadd.s32 $0xE, s23;
	v48 =	vld [tilespmem:s22+$0xFFFFFE30];
	[tilespmem:v44+s21+$0x0] =	vst.idx.msk $0xffff, v4;
	v4 =	vadd.f32 v62, v33  }
0xe7: {  	s29 =	sadd.s32 $0xB, s23;
	s31 =	sadd.s32 $0xD, s23;
	v63 =	vmov s25;
	v44 =	vshrl.u32 v0, $0x3;
	v0 =	vadd.f32 v47, v33;
	[tilespmem:v45+s21+$0x0] =	vst.idx.msk $0xffff, v3  }
0xe8: {  	p0 =	slt.u32 s23, $0x70;
	v60 =	vmov s29;
	v62 =	vmov s31;
	v3 =	vadd.f32 v50, v33;
	[tilespmem:v42+s21+$0x0] =	vst.idx.msk $0xffff, v4  }
.Ltmp5:
0xe9: {  	v47 =	vshrl.u32 v55, $0x3;
	v50 =	vshrl.u32 v2, $0x3;
	v4 =	vadd.f32 v43, v33;
	[tilespmem:v46+s21+$0x0] =	vst.idx.msk $0xffff, v0;
	(pc) =	sbr.rel @p0 .LBB2_4-.Ltmp5, $4  }
0xea: {  	v45 =	vshrl.u32 v56, $0x3;
	v46 =	vshrl.u32 v53, $0x3;
	[tilespmem:v39+s21+$0x0] =	vst.idx.msk $0xffff, v3;
	v3 =	vadd.f32 v40, v33  }
0xeb: {  	v42 =	vshrl.u32 v59, $0x3;
	v43 =	vshrl.u32 v60, $0x3;
	[tilespmem:v41+s21+$0x0] =	vst.idx.msk $0xffff, v4;
	v2 =	vadd.f32 v48, v33  }
0xec: {  	v39 =	vshrl.u32 v62, $0x3;
	v40 =	vshrl.u32 v63, $0x3;
	v48 =	vshrl.u32 v54, $0x3;
	[tilespmem:v38+s21+$0x0] =	vst.idx.msk $0xffff, v3  }
0xed: {  	s24 =	sadd.s32 $0xF, s23;
	s23 =	sadd.s32 $0x10, s23;
	v41 =	vshrl.u32 v61, $0x3;
	v38 =	vshrl.u32 v58, $0x3;
	[tilespmem:v37+s21+$0x0] =	vst.idx.msk $0xffff, v2;
	v37 =	vbroadcast v5, $0x0  }
0xee: {  	v0 =	vshll.u32 v44, v1;
	v2 =	vshll.u32 v50, v1;
	v3 =	vmov s24  }
0xef: {  	v4 =	vshll.u32 v45, v1;
	v5 =	vshll.u32 v51, v1;
	v19 =	vld [tilespmem:$0x1FF30];
	v3 =	vshrl.u32 v3, $0x3  }
0xf0: {  	v44 =	vshll.u32 v48, v1;
	v45 =	vshll.u32 v49, v1;
	s22 =	sadd.s32 $0x400, s22;
	v10 =	vld [tilespmem:$0x1FF40];
	v3 =	vshll.u32 v3, v1  }
0xf1: {  	v46 =	vshll.u32 v46, v1;
	v47 =	vshll.u32 v47, v1;
	v60 =	vld [tilespmem:s22+$0x1C0];
	v3 =	vbroadcast v3, $0x0  }
0xf2: {  	v50 =	vshll.u32 v38, v1;
	v51 =	vshll.u32 v42, v1;
	v52 =	vshll.u32 v43, v1;
	v61 =	vld [tilespmem:s22+$0xFFFFFE00]  }
0xf3: {  	v43 =	vld [tilespmem:s22+$0xFFFFFE40];
	v38 =	vbroadcast v0, $0x0;
	v0 =	vshll.u32 v41, v1;
	v53 =	vadd.s32 v6, v3  }
0xf4: {  	v55 =	vld [tilespmem:s22+$0xFFFFFE80];
	v41 =	vbroadcast v2, $0x0;
	v2 =	vshll.u32 v39, v1;
	v54 =	vadd.s32 v19, v37  }
0xf5: {  	v57 =	vld [tilespmem:s22+$0xFFFFFEC0];
	v39 =	vbroadcast v4, $0x0;
	v4 =	vshll.u32 v40, v1;
	v56 =	vadd.s32 v10, v38  }
0xf6: {  	v59 =	vld [tilespmem:s22+$0xFFFFFF00];
	v40 =	vbroadcast v5, $0x0;
	v58 =	vadd.s32 v14, v41;
	v5 =	vadd.f32 v60, v36  }
0xf7: {  	v42 =	vbroadcast v44, $0x0;
	v49 =	vadd.s32 v18, v39;
	v48 =	vadd.f32 v61, v36;
	v60 =	vld [tilespmem:s22+$0xFFFFFF40]  }
0xf8: {  	v62 =	vadd.f32 v43, v36;
	v43 =	vbroadcast v45, $0x0;
	[tilespmem:v53+s21+$0x0] =	vst.idx.msk $0xffff, v5;
	v5 =	vadd.s32 v22, v40;
	v53 =	vld [tilespmem:s22+$0xFFFFFF80]  }
0xf9: {  	v63 =	vadd.f32 v55, v36;
	[tilespmem:v54+s21+$0x0] =	vst.idx.msk $0xffff, v48;
	v48 =	vadd.s32 v26, v42;
	v54 =	vld [tilespmem:s22+$0x1D0]  }
0xfa: {  	v44 =	vbroadcast v46, $0x0;
	v55 =	vadd.f32 v57, v36;
	v57 =	vld [tilespmem:s22+$0xFFFFFFC0];
	[tilespmem:v56+s21+$0x0] =	vst.idx.msk $0xffff, v62;
	v56 =	vadd.s32 v30, v43  }
0xfb: {  	v45 =	vbroadcast v47, $0x0;
	v61 =	vadd.s32 v21, v3;
	[tilespmem:v58+s21+$0x0] =	vst.idx.msk $0xffff, v63;
	v58 =	vadd.f32 v59, v36;
	v59 =	vld [tilespmem:s22+$0x0]  }
0xfc: {  	v46 =	vbroadcast v50, $0x0;
	[tilespmem:v49+s21+$0x0] =	vst.idx.msk $0xffff, v55;
	v55 =	vadd.s32 v6, v44;
	v49 =	vadd.f32 v60, v36;
	v60 =	vld [tilespmem:s22+$0x40]  }
0xfd: {  	v47 =	vbroadcast v51, $0x0;
	[tilespmem:v5+s21+$0x0] =	vst.idx.msk $0xffff, v58;
	v5 =	vadd.f32 v53, v36;
	v53 =	vadd.s32 v19, v45;
	v58 =	vld [tilespmem:s22+$0x80]  }
0xfe: {  	v63 =	vld [tilespmem:s22+$0xC0];
	v62 =	vadd.s32 v10, v46;
	[tilespmem:v48+s21+$0x0] =	vst.idx.msk $0xffff, v49;
	v48 =	vbroadcast v52, $0x0;
	v50 =	vadd.f32 v54, v35  }
0xff: {  	v52 =	vadd.s32 v14, v47;
	v49 =	vbroadcast v0, $0x0;
	v54 =	vld [tilespmem:s22+$0x100];
	[tilespmem:v56+s21+$0x0] =	vst.idx.msk $0xffff, v5;
	v5 =	vadd.f32 v57, v36  }
0x100: {  	v0 =	vadd.f32 v59, v36;
	v56 =	vadd.s32 v18, v48;
	v57 =	vld [tilespmem:s22+$0x140];
	[tilespmem:v61+s21+$0x0] =	vst.idx.msk $0xffff, v50;
	v50 =	vbroadcast v2, $0x0  }
0x101: {  	v2 =	vadd.f32 v60, v36;
	[tilespmem:v55+s21+$0x0] =	vst.idx.msk $0xffff, v5;
	v5 =	vadd.s32 v22, v49  }
0x102: {  	[tilespmem:v53+s21+$0x0] =	vst.idx.msk $0xffff, v0;
	v0 =	vadd.f32 v58, v36;
	v53 =	vadd.s32 v26, v50  }
0x103: {  	v51 =	vbroadcast v4, $0x0;
	v4 =	vadd.f32 v63, v36;
	[tilespmem:v62+s21+$0x0] =	vst.idx.msk $0xffff, v2  }
0x104: {  	v61 =	vadd.f32 v54, v36;
	[tilespmem:v52+s21+$0x0] =	vst.idx.msk $0xffff, v0  }
0x105: {  	v55 =	vld [tilespmem:s22+$0x1E0];
	[tilespmem:v56+s21+$0x0] =	vst.idx.msk $0xffff, v4;
	v57 =	vadd.f32 v57, v36  }
0x106: {  	v58 =	vld [tilespmem:s22+$0x180];
	[tilespmem:v5+s21+$0x0] =	vst.idx.msk $0xffff, v61  }
0x107: {  	v6 =	vld [tilespmem:$0x1FF70];
	[tilespmem:v53+s21+$0x0] =	vst.idx.msk $0xffff, v57  }
0x108: {  	v10 =	vld [tilespmem:$0x1FF90]  }
0x109: {  	v60 =	vadd.s32 v15, v3;
	v2 =	vld [tilespmem:s22+$0xFFFFFE50]  }
0x10a: {  	v54 =	vadd.s32 v30, v51;
	v0 =	vld [tilespmem:s22+$0xFFFFFE90]  }
0x10b: {  	v4 =	vadd.s32 v11, v38;
	v56 =	vld [tilespmem:s22+$0xFFFFFED0]  }
0x10c: {  	v52 =	vld [tilespmem:s22+$0xFFFFFF10];
	v55 =	vadd.f32 v55, v34;
	v5 =	vadd.s32 v6, v41  }
0x10d: {  	v63 =	vld [tilespmem:s22+$0xFFFFFF50];
	v62 =	vadd.f32 v58, v36;
	v53 =	vadd.s32 v10, v39  }
0x10e: {  	v61 =	vld [tilespmem:s22+$0xFFFFFF90];
	v2 =	vadd.f32 v2, v35;
	[tilespmem:v60+s21+$0x0] =	vst.idx.msk $0xffff, v55;
	v60 =	vadd.s32 v23, v40  }
0x10f: {  	v0 =	vadd.f32 v0, v35;
	[tilespmem:v54+s21+$0x0] =	vst.idx.msk $0xffff, v62;
	v62 =	vadd.s32 v27, v42;
	v54 =	vld [tilespmem:s22+$0x1F0]  }
0x110: {  	[tilespmem:v4+s21+$0x0] =	vst.idx.msk $0xffff, v2;
	v2 =	vadd.f32 v56, v35;
	v4 =	vadd.s32 v31, v43;
	v56 =	vld [tilespmem:s22+$0xFFFFFFD0]  }
0x111: {  	v3 =	vadd.s32 v17, v3;
	[tilespmem:v5+s21+$0x0] =	vst.idx.msk $0xffff, v0;
	v0 =	vadd.f32 v52, v35;
	v5 =	vld [tilespmem:s22+$0x10]  }
0x112: {  	v52 =	vadd.s32 v21, v44;
	[tilespmem:v53+s21+$0x0] =	vst.idx.msk $0xffff, v2;
	v2 =	vadd.f32 v63, v35;
	v63 =	vld [tilespmem:s22+$0x50]  }
0x113: {  	[tilespmem:v60+s21+$0x0] =	vst.idx.msk $0xffff, v0;
	v0 =	vadd.f32 v61, v35;
	v60 =	vadd.s32 v7, v45;
	v61 =	vld [tilespmem:s22+$0x90]  }
0x114: {  	v54 =	vadd.f32 v54, v33;
	[tilespmem:v62+s21+$0x0] =	vst.idx.msk $0xffff, v2;
	v2 =	vadd.s32 v11, v46;
	v62 =	vld [tilespmem:s22+$0xD0]  }
0x115: {  	[tilespmem:v4+s21+$0x0] =	vst.idx.msk $0xffff, v0;
	v0 =	vadd.f32 v56, v35;
	v4 =	vadd.s32 v6, v47;
	v56 =	vld [tilespmem:s22+$0x110]  }
0x116: {  	[tilespmem:v3+s21+$0x0] =	vst.idx.msk $0xffff, v54;
	v3 =	vadd.s32 v10, v48;
	v54 =	vld [tilespmem:s22+$0x150];
	v5 =	vadd.f32 v5, v35  }
0x117: {  	[tilespmem:v52+s21+$0x0] =	vst.idx.msk $0xffff, v0;
	v0 =	vadd.f32 v63, v35;
	v52 =	vadd.s32 v23, v49;
	v63 =	vld [tilespmem:s22+$0x190]  }
0x118: {  	[tilespmem:v60+s21+$0x0] =	vst.idx.msk $0xffff, v5;
	v5 =	vld [tilespmem:s22+$0xFFFFFE10];
	v60 =	vadd.f32 v61, v35;
	v61 =	vadd.s32 v27, v50  }
0x119: {  	[tilespmem:v2+s21+$0x0] =	vst.idx.msk $0xffff, v0;
	v0 =	vld [tilespmem:s22+$0xFFFFFE60];
	v2 =	vadd.f32 v62, v35;
	v62 =	vadd.s32 v31, v51  }
0x11a: {  	v55 =	vld [tilespmem:s22+$0xFFFFFEA0];
	[tilespmem:v4+s21+$0x0] =	vst.idx.msk $0xffff, v60;
	v4 =	vadd.s32 v7, v37;
	v56 =	vadd.f32 v56, v35  }
0x11b: {  	v54 =	vadd.f32 v54, v35;
	[tilespmem:v3+s21+$0x0] =	vst.idx.msk $0xffff, v2;
	v2 =	vadd.s32 v12, v38;
	v3 =	vld [tilespmem:s22+$0xFFFFFEE0]  }
0x11c: {  	[tilespmem:v52+s21+$0x0] =	vst.idx.msk $0xffff, v56;
	v52 =	vadd.s32 v16, v41;
	v56 =	vld [tilespmem:s22+$0xFFFFFF20];
	v53 =	vadd.f32 v63, v35  }
0x11d: {  	v60 =	vld [tilespmem:s22+$0xFFFFFF60];
	v63 =	vadd.s32 v20, v39;
	v5 =	vadd.f32 v5, v35;
	[tilespmem:v61+s21+$0x0] =	vst.idx.msk $0xffff, v54  }
0x11e: {  	v61 =	vadd.s32 v24, v40;
	v0 =	vadd.f32 v0, v34;
	[tilespmem:v62+s21+$0x0] =	vst.idx.msk $0xffff, v53;
	v62 =	vld [tilespmem:s22+$0xFFFFFFA0]  }
0x11f: {  	[tilespmem:v4+s21+$0x0] =	vst.idx.msk $0xffff, v5;
	v4 =	vadd.f32 v55, v34;
	v5 =	vadd.s32 v28, v42;
	v55 =	vld [tilespmem:s22+$0xFFFFFFE0]  }
0x120: {  	[tilespmem:v2+s21+$0x0] =	vst.idx.msk $0xffff, v0;
	v0 =	vadd.f32 v3, v34;
	v2 =	vadd.s32 v32, v43;
	v3 =	vld [tilespmem:s22+$0x20]  }
0x121: {  	[tilespmem:v52+s21+$0x0] =	vst.idx.msk $0xffff, v4;
	v4 =	vadd.f32 v56, v34;
	v52 =	vadd.s32 v15, v44;
	v56 =	vld [tilespmem:s22+$0x60]  }
0x122: {  	v35 =	vadd.s32 v8, v45;
	v54 =	vld [tilespmem:s22+$0xA0];
	[tilespmem:v63+s21+$0x0] =	vst.idx.msk $0xffff, v0;
	v0 =	vadd.f32 v60, v34  }
0x123: {  	v36 =	vadd.s32 v12, v46;
	v63 =	vld [tilespmem:s22+$0xE0];
	[tilespmem:v61+s21+$0x0] =	vst.idx.msk $0xffff, v4;
	v4 =	vadd.f32 v62, v34  }
0x124: {  	v61 =	vld [tilespmem:s22+$0x120];
	[tilespmem:v5+s21+$0x0] =	vst.idx.msk $0xffff, v0;
	v0 =	vadd.f32 v55, v34;
	v5 =	vadd.s32 v16, v47  }
0x125: {  	[tilespmem:v2+s21+$0x0] =	vst.idx.msk $0xffff, v4;
	v2 =	vadd.f32 v3, v34;
	v3 =	vadd.s32 v20, v48;
	v4 =	vld [tilespmem:s22+$0x160]  }
0x126: {  	[tilespmem:v52+s21+$0x0] =	vst.idx.msk $0xffff, v0;
	v0 =	vadd.f32 v56, v34;
	v52 =	vadd.s32 v24, v49;
	v56 =	vld [tilespmem:s22+$0x1A0]  }
0x127: {  	v62 =	vadd.f32 v54, v34;
	v54 =	vadd.s32 v28, v50;
	[tilespmem:v35+s21+$0x0] =	vst.idx.msk $0xffff, v2;
	v2 =	vld [tilespmem:s22+$0xFFFFFE20]  }
0x128: {  	v53 =	vadd.s32 v32, v51;
	v63 =	vadd.f32 v63, v34;
	[tilespmem:v36+s21+$0x0] =	vst.idx.msk $0xffff, v0;
	v0 =	vld [tilespmem:s22+$0xFFFFFE70]  }
0x129: {  	v55 =	vadd.f32 v61, v34;
	[tilespmem:v5+s21+$0x0] =	vst.idx.msk $0xffff, v62;
	v5 =	vadd.s32 v8, v37  }
0x12a: {  	[tilespmem:v3+s21+$0x0] =	vst.idx.msk $0xffff, v63;
	v3 =	vadd.s32 v13, v38;
	v4 =	vadd.f32 v4, v34  }
0x12b: {  	[tilespmem:v52+s21+$0x0] =	vst.idx.msk $0xffff, v55;
	v63 =	vadd.f32 v56, v34  }
0x12c: {  	v14 =	vld [tilespmem:$0x1FF80];
	[tilespmem:v54+s21+$0x0] =	vst.idx.msk $0xffff, v4;
	v2 =	vadd.f32 v2, v34  }
0x12d: {  	v19 =	vld [tilespmem:$0x1FFA0];
	[tilespmem:v53+s21+$0x0] =	vst.idx.msk $0xffff, v63;
	v0 =	vadd.f32 v0, v33  }
0x12e: {  	v35 =	vld [tilespmem:s22+$0xFFFFFEB0];
	[tilespmem:v5+s21+$0x0] =	vst.idx.msk $0xffff, v2  }
0x12f: {  	v61 =	vld [tilespmem:s22+$0xFFFFFEF0];
	[tilespmem:v3+s21+$0x0] =	vst.idx.msk $0xffff, v0  }
0x130: {  	v58 =	vmov v7;
	v7 =	vld [tilespmem:$0x1FFB0]  }
0x131: {  	v62 =	vld [tilespmem:s22+$0xFFFFFF30];
	v38 =	vadd.s32 v14, v41  }
0x132: {  	v34 =	vld [tilespmem:s22+$0xFFFFFF70];
	v4 =	vadd.s32 v19, v39  }
0x133: {  	v55 =	vld [tilespmem:s22+$0xFFFFFFB0];
	v54 =	vadd.s32 v25, v40  }
0x134: {  	v56 =	vld [tilespmem:s22+$0xFFFFFFF0];
	v2 =	vadd.f32 v35, v33;
	v5 =	vadd.s32 v29, v42  }
0x135: {  	v0 =	vadd.f32 v61, v33;
	v61 =	vld [tilespmem:s22+$0x30];
	v3 =	vadd.s32 v7, v43  }
0x136: {  	v63 =	vld [tilespmem:s22+$0x70];
	[tilespmem:v38+s21+$0x0] =	vst.idx.msk $0xffff, v2;
	v2 =	vadd.f32 v62, v33;
	v62 =	vadd.s32 v17, v44  }
0x137: {  	v53 =	vld [tilespmem:s22+$0xF0];
	[tilespmem:v4+s21+$0x0] =	vst.idx.msk $0xffff, v0;
	v0 =	vadd.f32 v34, v33;
	v4 =	vadd.s32 v9, v45  }
0x138: {  	v52 =	vadd.s32 v13, v46;
	v45 =	vld [tilespmem:s22+$0xB0];
	[tilespmem:v54+s21+$0x0] =	vst.idx.msk $0xffff, v2;
	v2 =	vadd.f32 v55, v33  }
0x139: {  	v54 =	vld [tilespmem:s22+$0x130];
	[tilespmem:v5+s21+$0x0] =	vst.idx.msk $0xffff, v0;
	v0 =	vadd.f32 v56, v33  }
0x13a: {  	v55 =	vld [tilespmem:s22+$0x170];
	[tilespmem:v3+s21+$0x0] =	vst.idx.msk $0xffff, v2;
	v2 =	vadd.f32 v61, v33;
	v3 =	vadd.s32 v19, v48  }
0x13b: {  	v5 =	vadd.s32 v14, v47;
	v61 =	vld [tilespmem:s22+$0x1B0];
	[tilespmem:v62+s21+$0x0] =	vst.idx.msk $0xffff, v0;
	v0 =	vadd.f32 v63, v33  }
0x13c: {  	v62 =	vadd.s32 v29, v50;
	[tilespmem:v4+s21+$0x0] =	vst.idx.msk $0xffff, v2;
	v2 =	vld [tilespmem:s22+$0xFFFFFE30]  }
0x13d: {  	[tilespmem:v52+s21+$0x0] =	vst.idx.msk $0xffff, v0;
	v0 =	vadd.f32 v53, v33  }
0x13e: {  	v56 =	vadd.s32 v25, v49;
	v4 =	vadd.f32 v45, v33  }
0x13f: {  	v63 =	vadd.s32 v7, v51;
	[tilespmem:v3+s21+$0x0] =	vst.idx.msk $0xffff, v0;
	v0 =	vadd.f32 v55, v33  }
0x140: {  	[tilespmem:v5+s21+$0x0] =	vst.idx.msk $0xffff, v4;
	v4 =	vadd.s32 v9, v37;
	v5 =	vadd.f32 v54, v33  }
0x141: {  	s19 =	sshll.u32 s19, $0x12;
	v3 =	vadd.f32 v61, v33;
	[tilespmem:v62+s21+$0x0] =	vst.idx.msk $0xffff, v0;
	v0 =	vadd.f32 v2, v33  }
0x142: {  	s19 =	sor.u32 s3, s19  }
0x143: {  	s31 =	sshrl.u32 s19, $0x3;
	[tilespmem:v56+s21+$0x0] =	vst.idx.msk $0xffff, v5  }
0x144: {  	s19 =	sadd.s32 $0x5, s20;
	s20 =	sadd.s32 s6, s31;
	v59 =	vmovc v11;
	v57 =	vmovc v8;
	v11 =	vmov v17;
	v60 =	vmov v12;
	v40 =	vmov v9;
	[tilespmem:v63+s21+$0x0] =	vst.idx.msk $0xffff, v3  }
0x145: {  	s23 =	sadd.s32 $0x88, s21;
	s24 =	sadd.s32 $0x0, s20;
	v42 =	vmovc v13;
	s22 =	simm.s32 $0x200;
	v33 =	vmovc v6;
	v5 =	vmov v10;
	[tilespmem:v4+s21+$0x0] =	vst.idx.msk $0xffff, v0;
	v3 =	vmov v19;
	v0 =	vmov v7  }
.LBB2_6:
0x146: {  	[hbm4b:s24+s2] =	stream.linear.scatter [tilespmem:s21], [sflag:s19], $0x80, $0x38;
	[tilespmem:$0x19E00] =	vst v63  }
0x147: {  	s24 =	smov.u32 s22;
	s21 =	smov.u32 s23;
	p0 =	sne.s32 s22, $0x7E00  }
.Ltmp6:
0x148: {  	s22 =	sadd.s32 $0x200, s22;
	(pc) =	sbr.rel @p0 .LBB2_6-.Ltmp6, $2  }
0x149: {  	_ =	sdelay $0x2  }
0x14a: {  	s23 =	sadd.s32 $0x88, s23;
	s24 =	sadd.s32 s24, s20  }
.Ltmp7:
0x14b: {  	(pc) =	sbr.rel .LBB2_8-.Ltmp7, $4  }
0x14c: {  	v6 =	vld [tilespmem:$0x1FF30]  }
0x14d: {  	v10 =	vld [tilespmem:$0x1FF40]  }
0x14e: {  	v2 =	vld [tilespmem:$0x1FF50]  }
0x14f: {  	[hbm4b:s24+s2] =	stream.linear.scatter [tilespmem:s21], [sflag:s19], $0x80, $0x38;
	v9 =	vmov v57;
	v12 =	vmov v59;
	v13 =	vmov v42;
	v4 =	vld [tilespmem:$0x1FF60]  }
.LBB2_10:
0x150: {  	_ =	sfence.sel $0x180000  }
0x151: {  	[bflag:$0x0] =	sbarrier.arrive $0xFFFF  }
0x152: {  	p0 =	sne.s32 s0, $0x0;
	_ =	strace $0x90000047  }
0x153: {  	s0 =	sadd.s32 @!p0 $0x100000, s1;
	[bflag:$0x2] =	sbarrier.arrive $0xFFFF  }
0x154: {  	[sflag:s0] =	ssyncadd.tile.s32 @!p0 $0x1;
	_ =	shalt  }
.Lfunc_end2:
_tile_overlayer_lowered:
.L_overlay_start_2:
0x155: {  	(tag) =	ssettag $0x2  }
0x156: {  	s0 =	rddreg [dreg:$0x0];
	s2 =	stileid.u32  }
0x157: {  	s1 =	rddreg [dreg:$0x1];
	p0 =	sne.s32 s2, $0x0  }
0x158: {  	s3 =	rddreg [dreg:$0x2];
	[bflag:$0x3] =	sbarrier.arrive $0xFFFF;
	s2 =	simm.s32 @!p0 $0x1C09  }
0x159: {  	[timem:s3], [sflag:s2] =	dma.local @!p0 [hbm:s0], s1  }
0x15a: {  	s0 =	simm.s32 @!p0 $0x9  }
0x15b: {  	_ =	swait.ge @!p0 [sflag:s0], s1  }
0x15c: {  	s1 =	ssub.s32 @!p0 $0x0, s1;
	[sflag:s0] =	ssyncset.done @!p0 $0x0  }
0x15d: {  	[sflag:s0] =	ssyncadd.s32 @!p0 s1  }
0x15e: {  	[bflag:$0x3] =	sbarrier.arrive $0xFFFF  }
0x15f: {  	_ =	shalt  }

</sc_bundles>
